<compile_context>
chip_gen: v7x
topology: tpu7x:2x2x1
jax: 0.10.2.dev20260603
libtpu: 0.0.44.dev20260713+nightly
codegen_flags: <defaults>
</compile_context>

<pallas_src>
import functools

import jax
import jax.numpy as jnp
from jax import lax
from jax.experimental import pallas as pl
from jax.experimental.pallas import tpu as pltpu
from jax.experimental.pallas import tpu_sc as plsc

NUM_HIDDENS = 1024
DEF_LEN = 5
NRH = 256
K = 8192
EDIM = 256
CC = 0.25
B = 2048

_F32 = jnp.float32
_BF16 = jnp.bfloat16


def _enc_body(x_ref, w1_ref, b1_ref, w2_ref, b2_ref, w3_ref, b3_ref,
              r1a_ref, r1ab_ref, r1b_ref, r1bb_ref,
              r2a_ref, r2ab_ref, r2b_ref, r2bb_ref,
              wpre_ref, bpre_ref, z_ref):
    def mm(a16, w_ref):
        return jnp.dot(a16, w_ref[...], preferred_element_type=_F32)

    x16 = x_ref[...].astype(_BF16)
    h = jnp.maximum(mm(x16, w1_ref) + b1_ref[...], 0.0)
    for _ in range(4):
        h = jnp.maximum(mm(h.astype(_BF16), w2_ref) + b2_ref[...], 0.0)
    h = mm(h.astype(_BF16), w3_ref) + b3_ref[...]
    for (wa, ba, wb, bb) in ((r1a_ref, r1ab_ref, r1b_ref, r1bb_ref),
                             (r2a_ref, r2ab_ref, r2b_ref, r2bb_ref)):
        t = jnp.maximum(h, 0.0).astype(_BF16)
        u = jnp.maximum(mm(t, wa) + ba[...], 0.0).astype(_BF16)
        h = h + (mm(u, wb) + bb[...])
    h16 = jnp.maximum(h, 0.0).astype(_BF16)
    z_ref[...] = mm(h16, wpre_ref) + bpre_ref[...]


def _encoder(x, W1, b1, W2, b2, W3, b3, R1a_w, R1a_b, R1b_w, R1b_b,
             R2a_w, R2a_b, R2b_w, R2b_b, Wpre, bpre, block_rows=256):
    nb = x.shape[0]
    c16 = lambda w: w.astype(_BF16)
    full = lambda shape: pl.BlockSpec(shape, lambda i: tuple(0 for _ in shape))
    return pl.pallas_call(
        _enc_body,
        grid=(nb // block_rows,),
        in_specs=[
            pl.BlockSpec((block_rows, EDIM), lambda i: (i, 0)),
            full((EDIM, NUM_HIDDENS)), full((NUM_HIDDENS,)),
            full((NUM_HIDDENS, NUM_HIDDENS)), full((NUM_HIDDENS,)),
            full((NUM_HIDDENS, NUM_HIDDENS)), full((NUM_HIDDENS,)),
            full((NUM_HIDDENS, NRH)), full((NRH,)),
            full((NRH, NUM_HIDDENS)), full((NUM_HIDDENS,)),
            full((NUM_HIDDENS, NRH)), full((NRH,)),
            full((NRH, NUM_HIDDENS)), full((NUM_HIDDENS,)),
            full((NUM_HIDDENS, EDIM * DEF_LEN)), full((EDIM * DEF_LEN,)),
        ],
        out_specs=pl.BlockSpec((block_rows, EDIM * DEF_LEN), lambda i: (i, 0)),
        out_shape=jax.ShapeDtypeStruct((nb, EDIM * DEF_LEN), _F32),
        compiler_params=pltpu.CompilerParams(
            dimension_semantics=("parallel",),
        ),
    )(x, c16(W1), b1, c16(W2), b2, c16(W3), b3,
      c16(R1a_w), R1a_b, c16(R1b_w), R1b_b,
      c16(R2a_w), R2a_b, c16(R2b_w), R2b_b,
      c16(Wpre), bpre)


_NC, _NS = 2, 16
_NW = _NC * _NS
_NROWS = B * DEF_LEN
_BPW = _NROWS // _NW
_CHUNK = 80
_NCHUNK = _BPW // _CHUNK

_sc_mesh = plsc.VectorSubcoreMesh(core_axis_name="c", subcore_axis_name="s")


@functools.partial(
    pl.kernel, mesh=_sc_mesh,
    out_type=jax.ShapeDtypeStruct((_NROWS, EDIM), jnp.float32),
    scratch_types=[
        pltpu.VMEM((_BPW,), jnp.int32),
        pltpu.VMEM((_CHUNK, EDIM), jnp.float32),
        pltpu.VMEM((_CHUNK, EDIM), jnp.float32),
        pltpu.SemaphoreType.DMA,
        pltpu.SemaphoreType.DMA,
    ],
)
def _sc_gather(table_hbm, idx_hbm, out_hbm, idx_v, rows_a, rows_b, sem_a, sem_b):
    wid = lax.axis_index("s") * _NC + lax.axis_index("c")
    base = wid * _BPW
    pltpu.sync_copy(idx_hbm.at[pl.ds(base, _BPW)], idx_v)
    pltpu.async_copy(table_hbm.at[idx_v.at[pl.ds(0, _CHUNK)]], rows_a, sem_a)

    @pl.loop(0, _NCHUNK)
    def _(i):
        @pl.when(i + 1 < _NCHUNK)
        def _():
            @pl.when(lax.rem(i + 1, 2) == 0)
            def _():
                pltpu.async_copy(
                    table_hbm.at[idx_v.at[pl.ds((i + 1) * _CHUNK, _CHUNK)]],
                    rows_a, sem_a)

            @pl.when(lax.rem(i + 1, 2) == 1)
            def _():
                pltpu.async_copy(
                    table_hbm.at[idx_v.at[pl.ds((i + 1) * _CHUNK, _CHUNK)]],
                    rows_b, sem_b)

        @pl.when(lax.rem(i, 2) == 0)
        def _():
            pltpu.make_async_copy(table_hbm.at[pl.ds(0, _CHUNK)], rows_a, sem_a).wait()
            pltpu.sync_copy(rows_a, out_hbm.at[pl.ds(base + i * _CHUNK, _CHUNK)])

        @pl.when(lax.rem(i, 2) == 1)
        def _():
            pltpu.make_async_copy(table_hbm.at[pl.ds(0, _CHUNK)], rows_b, sem_b).wait()
            pltpu.sync_copy(rows_b, out_hbm.at[pl.ds(base + i * _CHUNK, _CHUNK)])


def kernel(x, W1, b1, W2, b2, W3, b3, R1a_w, R1a_b, R1b_w, R1b_b,
           R2a_w, R2a_b, R2b_w, R2b_b, Wpre, bpre, codebook):
    z = _encoder(x, W1, b1, W2, b2, W3, b3, R1a_w, R1a_b, R1b_w, R1b_b,
                 R2a_w, R2a_b, R2b_w, R2b_b, Wpre, bpre)

    flat = z.reshape(-1, EDIM)
    distances = (jnp.sum(flat ** 2, axis=1, keepdims=True)
                 + jnp.sum(codebook ** 2, axis=1)
                 - 2.0 * (flat @ codebook.T))
    idx = jnp.argmin(distances, axis=1)

    n_rows = flat.shape[0]
    cb16 = codebook.astype(jnp.bfloat16).astype(jnp.float32)
    quantized = _sc_gather(cb16, idx.astype(jnp.int32)).reshape(z.shape)
    e_latent_loss = jnp.mean((quantized - z) ** 2)
    loss = (1.0 + CC) * e_latent_loss
    counts = jnp.zeros((K,), jnp.float32).at[idx].add(1.0)
    avg_probs = counts / n_rows
    perplexity = jnp.exp(-jnp.sum(avg_probs * jnp.log(avg_probs + 1e-10)))
    definition = quantized.reshape(-1, DEF_LEN, EDIM)
    recon = jnp.mean(definition, axis=1)
    return (loss, recon, definition, perplexity)

# --- scband reference (transcript-rebuilt; emitter-appended) ---
"""Pipeline reference for scband-model-71837622993515 (READ-ONLY COPY).

The authoritative reference and input builder live on the scoring server;
editing this copy changes nothing except your own understanding.
"""

import jax, jax.numpy as jnp
import numpy as np

NUM_HIDDENS = 1024
DEF_LEN = 5
NRH = 256
K = 8192
EDIM = 256
CC = 0.25
B = 2048


def _lin_init(k, fi, fo):
    bound = 1.0 / np.sqrt(fi)
    kw, kb = jax.random.split(k)
    W = jax.random.uniform(kw, (fi, fo), minval=-bound, maxval=bound, dtype=jnp.float32)
    b = jax.random.uniform(kb, (fo,), minval=-bound, maxval=bound, dtype=jnp.float32)
    return W, b


def setup_inputs(seed: int = 0) -> dict:
    key = jax.random.key(seed)
    ks = jax.random.split(key, 12)
    inp = {}
    inp["x"] = jax.random.normal(ks[0], (B, EDIM), dtype=jnp.float32)
    inp["W1"], inp["b1"] = _lin_init(ks[1], EDIM, NUM_HIDDENS)
    inp["W2"], inp["b2"] = _lin_init(ks[2], NUM_HIDDENS, NUM_HIDDENS)
    inp["W3"], inp["b3"] = _lin_init(ks[3], NUM_HIDDENS, NUM_HIDDENS)
    inp["R1a_w"], inp["R1a_b"] = _lin_init(ks[4], NUM_HIDDENS, NRH)
    inp["R1b_w"], inp["R1b_b"] = _lin_init(ks[5], NRH, NUM_HIDDENS)
    inp["R2a_w"], inp["R2a_b"] = _lin_init(ks[6], NUM_HIDDENS, NRH)
    inp["R2b_w"], inp["R2b_b"] = _lin_init(ks[7], NRH, NUM_HIDDENS)
    inp["Wpre"], inp["bpre"] = _lin_init(ks[8], NUM_HIDDENS, EDIM * DEF_LEN)
    inp["codebook"] = jax.random.uniform(ks[9], (K, EDIM), minval=-1.0 / K, maxval=1.0 / K, dtype=jnp.float32)
    return inp


def reference(x, W1, b1, W2, b2, W3, b3, R1a_w, R1a_b, R1b_w, R1b_b, R2a_w, R2a_b, R2b_w, R2b_b, Wpre, bpre, codebook):
    # Encoder (note: lin_2 applied 4 times with shared weights, as in the torch code)
    h = jax.nn.relu(x @ W1 + b1)
    for _ in range(4):
        h = jax.nn.relu(h @ W2 + b2)
    h = h @ W3 + b3
    # Residual stack
    for (Wa, ba, Wb, bb) in ((R1a_w, R1a_b, R1b_w, R1b_b), (R2a_w, R2a_b, R2b_w, R2b_b)):
        h = h + (jax.nn.relu(jax.nn.relu(h) @ Wa + ba) @ Wb + bb)
    h = jax.nn.relu(h)
    # pre-VQ projection
    z = h @ Wpre + bpre  # [B, EDIM*DEF_LEN]
    # Vector quantizer
    flat = z.reshape(-1, EDIM)  # [B*DEF_LEN, EDIM]
    distances = (jnp.sum(flat ** 2, axis=1, keepdims=True)
                 + jnp.sum(codebook ** 2, axis=1)
                 - 2.0 * (flat @ codebook.T))
    idx = jnp.argmin(distances, axis=1)
    n_rows = flat.shape[0]
    encodings = jnp.zeros((n_rows, K), dtype=flat.dtype).at[jnp.arange(n_rows), idx].set(1.0)
    quantized = (encodings @ codebook).reshape(z.shape)
    e_latent_loss = jnp.mean((jax.lax.stop_gradient(quantized) - z) ** 2)
    q_latent_loss = jnp.mean((quantized - jax.lax.stop_gradient(z)) ** 2)
    loss = q_latent_loss + CC * e_latent_loss
    quantized = z + jax.lax.stop_gradient(quantized - z)
    avg_probs = jnp.mean(encodings, axis=0)
    perplexity = jnp.exp(-jnp.sum(avg_probs * jnp.log(avg_probs + 1e-10)))
    # Decoder
    definition = quantized.reshape(-1, DEF_LEN, EDIM)
    recon = jnp.mean(definition, axis=1)
    return (loss, recon, definition, perplexity)

if __name__ == "__main__":
    import jax
    _d = setup_inputs()
    print(jax.jit(kernel)(*tuple(_d.values())))

</pallas_src>

<mosaic_0001>
#map = affine_map<(d0, d1) -> (0, 0)>
#map1 = affine_map<(d0, d1) -> (0)>
module attributes {stable_mosaic.version = 14 : i64} {
  func.func @_sc_gather(%arg0: i32, %arg1: i32, %arg2: memref<8192x256xf32, #tpu.memory_space<hbm>>, %arg3: memref<10240xi32, #tpu.memory_space<hbm>>, %arg4: memref<10240x256xf32, #tpu.memory_space<hbm>>, %arg5: memref<320xi32, #tpu.memory_space<vmem>>, %arg6: memref<80x256xf32, #tpu.memory_space<vmem>>, %arg7: memref<80x256xf32, #tpu.memory_space<vmem>>, %arg8: memref<!tpu.dma_semaphore, #tpu.memory_space<semaphore_mem>>, %arg9: memref<!tpu.dma_semaphore, #tpu.memory_space<semaphore_mem>>) attributes {dimension_semantics = [#tpu.dimension_semantics<core_parallel>, #tpu.dimension_semantics<subcore_parallel>], iteration_bounds = array<i64: 2, 16>, scalar_prefetch = 0 : i64, scratch_operands = 5 : i64, tpu.core_type = #tpu.core_type<sc_vector_subcore>, window_params = [{transform_indices = #map}, {transform_indices = #map1}, {transform_indices = #map}]} {
    %mul3A = arith.constant 2 : i32
    %mul3A_0 = arith.muli %arg1, %mul3A : i32
    %add3A = arith.addi %mul3A_0, %arg0 : i32
    %mul3A_1 = arith.constant 320 : i32
    %mul3A_2 = arith.muli %add3A, %mul3A_1 : i32
    "tpu.region"() ({
      %run_scoped3A = tpu.sem_alloc : memref<!tpu.dma_semaphore, #tpu.memory_space<semaphore_mem>>
      %dma_start3A_11 = tpu.memref_slice %arg3[%mul3A_2] : memref<10240xi32, #tpu.memory_space<hbm>> -> memref<320xi32, #tpu.memory_space<hbm>>
      %dma_start3A_12 = tpu.memref_slice %arg3[%mul3A_2] : memref<10240xi32, #tpu.memory_space<hbm>> -> memref<320xi32, #tpu.memory_space<hbm>>
      tpu.enqueue_dma source(%dma_start3A_12 : memref<320xi32, #tpu.memory_space<hbm>>) target(%arg5 : memref<320xi32, #tpu.memory_space<vmem>>) target_semaphore(%run_scoped3A : memref<!tpu.dma_semaphore, #tpu.memory_space<semaphore_mem>>)
      %dma_wait3A = tpu.memref_slice %arg3[%mul3A_2] : memref<10240xi32, #tpu.memory_space<hbm>> -> memref<320xi32, #tpu.memory_space<hbm>>
      %dma_wait3A_13 = tpu.memref_slice %arg3[%mul3A_2] : memref<10240xi32, #tpu.memory_space<hbm>> -> memref<320xi32, #tpu.memory_space<hbm>>
      tpu.wait_dma2 semaphore(%run_scoped3A : memref<!tpu.dma_semaphore, #tpu.memory_space<semaphore_mem>>) src(%dma_wait3A_13 : memref<320xi32, #tpu.memory_space<hbm>>) dst(%arg5 : memref<320xi32, #tpu.memory_space<vmem>>)
      tpu.yield
    }) : () -> ()
    %dma_start3A = arith.constant 0 : i32
    %dma_start3A_3 = tpu.memref_slice %arg5[%dma_start3A] : memref<320xi32, #tpu.memory_space<vmem>> -> memref<80xi32, #tpu.memory_space<vmem>>
    %dma_start3A_4 = arith.constant 0 : i32
    %dma_start3A_5 = arith.constant 0 : i32
    %dma_start3A_6 = tpu.memref_slice %arg2[%dma_start3A_4, %dma_start3A_5] : memref<8192x256xf32, #tpu.memory_space<hbm>> -> memref<8192x256xf32, #tpu.memory_space<hbm>>
    tpu.enqueue_indirect_dma source(%dma_start3A_6 : memref<8192x256xf32, #tpu.memory_space<hbm>>) target(%arg6 : memref<80x256xf32, #tpu.memory_space<vmem>>) offsets(%dma_start3A_3 : memref<80xi32, #tpu.memory_space<vmem>>) semaphore(%arg8 : memref<!tpu.dma_semaphore, #tpu.memory_space<semaphore_mem>>)
    %scan3A = arith.constant 0 : i32
    %scan3A_7 = arith.constant 4 : i32
    %scan3A_8 = arith.addi %scan3A, %scan3A_7 : i32
    %scan3A_9 = arith.constant 1 : i32
    scf.for %scan3A_11 = %scan3A to %scan3A_8 step %scan3A_9  : i32 {
      %mul3A_12 = arith.constant 1 : i32
      %mul3A_13 = arith.muli %scan3A_11, %mul3A_12 : i32
      %add3A_14 = arith.constant 0 : i32
      %add3A_15 = arith.addi %add3A_14, %mul3A_13 : i32
      %add3A_16 = arith.constant 1 : i32
      %add3A_17 = arith.addi %add3A_15, %add3A_16 : i32
      %lt3A = arith.constant 4 : i32
      %lt3A_18 = arith.cmpi slt, %add3A_17, %lt3A : i32
      %convert_element_type3A = arith.extui %lt3A_18 : i1 to i32
      %cond3A = arith.constant 0 : i32
      %cond3A_19 = arith.cmpi ne, %convert_element_type3A, %cond3A : i32
      scf.if %cond3A_19 {
        %add3A_32 = arith.constant 1 : i32
        %add3A_33 = arith.addi %add3A_15, %add3A_32 : i32
        %rem3A_34 = arith.constant 2 : i32
        %rem3A_35 = arith.remsi %add3A_33, %rem3A_34 : i32
        %eq3A_36 = arith.constant 0 : i32
        %eq3A_37 = arith.cmpi eq, %rem3A_35, %eq3A_36 : i32
        %convert_element_type3A_38 = arith.extui %eq3A_37 : i1 to i32
        %cond3A_39 = arith.constant 0 : i32
        %cond3A_40 = arith.cmpi ne, %convert_element_type3A_38, %cond3A_39 : i32
        scf.if %cond3A_40 {
          %add3A_50 = arith.constant 1 : i32
          %add3A_51 = arith.addi %add3A_15, %add3A_50 : i32
          %mul3A_52 = arith.constant 80 : i32
          %mul3A_53 = arith.muli %add3A_51, %mul3A_52 : i32
          %dma_start3A_54 = tpu.memref_slice %arg5[%mul3A_53] : memref<320xi32, #tpu.memory_space<vmem>> -> memref<80xi32, #tpu.memory_space<vmem>>
          %dma_start3A_55 = arith.constant 0 : i32
          %dma_start3A_56 = arith.constant 0 : i32
          %dma_start3A_57 = tpu.memref_slice %arg2[%dma_start3A_55, %dma_start3A_56] : memref<8192x256xf32, #tpu.memory_space<hbm>> -> memref<8192x256xf32, #tpu.memory_space<hbm>>
          tpu.enqueue_indirect_dma source(%dma_start3A_57 : memref<8192x256xf32, #tpu.memory_space<hbm>>) target(%arg6 : memref<80x256xf32, #tpu.memory_space<vmem>>) offsets(%dma_start3A_54 : memref<80xi32, #tpu.memory_space<vmem>>) semaphore(%arg8 : memref<!tpu.dma_semaphore, #tpu.memory_space<semaphore_mem>>)
        } else {
        }
        %add3A_41 = arith.constant 1 : i32
        %add3A_42 = arith.addi %add3A_15, %add3A_41 : i32
        %rem3A_43 = arith.constant 2 : i32
        %rem3A_44 = arith.remsi %add3A_42, %rem3A_43 : i32
        %eq3A_45 = arith.constant 1 : i32
        %eq3A_46 = arith.cmpi eq, %rem3A_44, %eq3A_45 : i32
        %convert_element_type3A_47 = arith.extui %eq3A_46 : i1 to i32
        %cond3A_48 = arith.constant 0 : i32
        %cond3A_49 = arith.cmpi ne, %convert_element_type3A_47, %cond3A_48 : i32
        scf.if %cond3A_49 {
          %add3A_50 = arith.constant 1 : i32
          %add3A_51 = arith.addi %add3A_15, %add3A_50 : i32
          %mul3A_52 = arith.constant 80 : i32
          %mul3A_53 = arith.muli %add3A_51, %mul3A_52 : i32
          %dma_start3A_54 = tpu.memref_slice %arg5[%mul3A_53] : memref<320xi32, #tpu.memory_space<vmem>> -> memref<80xi32, #tpu.memory_space<vmem>>
          %dma_start3A_55 = arith.constant 0 : i32
          %dma_start3A_56 = arith.constant 0 : i32
          %dma_start3A_57 = tpu.memref_slice %arg2[%dma_start3A_55, %dma_start3A_56] : memref<8192x256xf32, #tpu.memory_space<hbm>> -> memref<8192x256xf32, #tpu.memory_space<hbm>>
          tpu.enqueue_indirect_dma source(%dma_start3A_57 : memref<8192x256xf32, #tpu.memory_space<hbm>>) target(%arg7 : memref<80x256xf32, #tpu.memory_space<vmem>>) offsets(%dma_start3A_54 : memref<80xi32, #tpu.memory_space<vmem>>) semaphore(%arg9 : memref<!tpu.dma_semaphore, #tpu.memory_space<semaphore_mem>>)
        } else {
        }
      } else {
      }
      %rem3A = arith.constant 2 : i32
      %rem3A_20 = arith.remsi %add3A_15, %rem3A : i32
      %eq3A = arith.constant 0 : i32
      %eq3A_21 = arith.cmpi eq, %rem3A_20, %eq3A : i32
      %convert_element_type3A_22 = arith.extui %eq3A_21 : i1 to i32
      %cond3A_23 = arith.constant 0 : i32
      %cond3A_24 = arith.cmpi ne, %convert_element_type3A_22, %cond3A_23 : i32
      scf.if %cond3A_24 {
        %dma_wait3A = arith.constant 0 : i32
        %dma_wait3A_32 = arith.constant 0 : i32
        %dma_wait3A_33 = tpu.memref_slice %arg2[%dma_wait3A, %dma_wait3A_32] : memref<8192x256xf32, #tpu.memory_space<hbm>> -> memref<80x256xf32, #tpu.memory_space<hbm>>
        %dma_wait3A_34 = arith.constant 0 : i32
        %dma_wait3A_35 = arith.constant 0 : i32
        %dma_wait3A_36 = tpu.memref_slice %arg2[%dma_wait3A_34, %dma_wait3A_35] : memref<8192x256xf32, #tpu.memory_space<hbm>> -> memref<80x256xf32, #tpu.memory_space<hbm>>
        tpu.wait_dma2 semaphore(%arg8 : memref<!tpu.dma_semaphore, #tpu.memory_space<semaphore_mem>>) src(%dma_wait3A_36 : memref<80x256xf32, #tpu.memory_space<hbm>>) dst(%arg6 : memref<80x256xf32, #tpu.memory_space<vmem>>)
        %mul3A_37 = arith.constant 80 : i32
        %mul3A_38 = arith.muli %add3A_15, %mul3A_37 : i32
        %add3A_39 = arith.addi %mul3A_2, %mul3A_38 : i32
        "tpu.region"() ({
          %run_scoped3A = tpu.sem_alloc : memref<!tpu.dma_semaphore, #tpu.memory_space<semaphore_mem>>
          %dma_start3A_40 = arith.constant 0 : i32
          %dma_start3A_41 = tpu.memref_slice %arg4[%add3A_39, %dma_start3A_40] : memref<10240x256xf32, #tpu.memory_space<hbm>> -> memref<80x256xf32, #tpu.memory_space<hbm>>
          %dma_start3A_42 = arith.constant 0 : i32
          %dma_start3A_43 = tpu.memref_slice %arg4[%add3A_39, %dma_start3A_42] : memref<10240x256xf32, #tpu.memory_space<hbm>> -> memref<80x256xf32, #tpu.memory_space<hbm>>
          tpu.enqueue_dma source(%arg6 : memref<80x256xf32, #tpu.memory_space<vmem>>) target(%dma_start3A_43 : memref<80x256xf32, #tpu.memory_space<hbm>>) target_semaphore(%run_scoped3A : memref<!tpu.dma_semaphore, #tpu.memory_space<semaphore_mem>>)
          %dma_wait3A_44 = arith.constant 0 : i32
          %dma_wait3A_45 = tpu.memref_slice %arg4[%add3A_39, %dma_wait3A_44] : memref<10240x256xf32, #tpu.memory_space<hbm>> -> memref<80x256xf32, #tpu.memory_space<hbm>>
          %dma_wait3A_46 = arith.constant 0 : i32
          %dma_wait3A_47 = tpu.memref_slice %arg4[%add3A_39, %dma_wait3A_46] : memref<10240x256xf32, #tpu.memory_space<hbm>> -> memref<80x256xf32, #tpu.memory_space<hbm>>
          tpu.wait_dma2 semaphore(%run_scoped3A : memref<!tpu.dma_semaphore, #tpu.memory_space<semaphore_mem>>) src(%arg6 : memref<80x256xf32, #tpu.memory_space<vmem>>) dst(%dma_wait3A_47 : memref<80x256xf32, #tpu.memory_space<hbm>>)
          tpu.yield
        }) : () -> ()
      } else {
      }
      %rem3A_25 = arith.constant 2 : i32
      %rem3A_26 = arith.remsi %add3A_15, %rem3A_25 : i32
      %eq3A_27 = arith.constant 1 : i32
      %eq3A_28 = arith.cmpi eq, %rem3A_26, %eq3A_27 : i32
      %convert_element_type3A_29 = arith.extui %eq3A_28 : i1 to i32
      %cond3A_30 = arith.constant 0 : i32
      %cond3A_31 = arith.cmpi ne, %convert_element_type3A_29, %cond3A_30 : i32
      scf.if %cond3A_31 {
        %dma_wait3A = arith.constant 0 : i32
        %dma_wait3A_32 = arith.constant 0 : i32
        %dma_wait3A_33 = tpu.memref_slice %arg2[%dma_wait3A, %dma_wait3A_32] : memref<8192x256xf32, #tpu.memory_space<hbm>> -> memref<80x256xf32, #tpu.memory_space<hbm>>
        %dma_wait3A_34 = arith.constant 0 : i32
        %dma_wait3A_35 = arith.constant 0 : i32
        %dma_wait3A_36 = tpu.memref_slice %arg2[%dma_wait3A_34, %dma_wait3A_35] : memref<8192x256xf32, #tpu.memory_space<hbm>> -> memref<80x256xf32, #tpu.memory_space<hbm>>
        tpu.wait_dma2 semaphore(%arg9 : memref<!tpu.dma_semaphore, #tpu.memory_space<semaphore_mem>>) src(%dma_wait3A_36 : memref<80x256xf32, #tpu.memory_space<hbm>>) dst(%arg7 : memref<80x256xf32, #tpu.memory_space<vmem>>)
        %mul3A_37 = arith.constant 80 : i32
        %mul3A_38 = arith.muli %add3A_15, %mul3A_37 : i32
        %add3A_39 = arith.addi %mul3A_2, %mul3A_38 : i32
        "tpu.region"() ({
          %run_scoped3A = tpu.sem_alloc : memref<!tpu.dma_semaphore, #tpu.memory_space<semaphore_mem>>
          %dma_start3A_40 = arith.constant 0 : i32
          %dma_start3A_41 = tpu.memref_slice %arg4[%add3A_39, %dma_start3A_40] : memref<10240x256xf32, #tpu.memory_space<hbm>> -> memref<80x256xf32, #tpu.memory_space<hbm>>
          %dma_start3A_42 = arith.constant 0 : i32
          %dma_start3A_43 = tpu.memref_slice %arg4[%add3A_39, %dma_start3A_42] : memref<10240x256xf32, #tpu.memory_space<hbm>> -> memref<80x256xf32, #tpu.memory_space<hbm>>
          tpu.enqueue_dma source(%arg7 : memref<80x256xf32, #tpu.memory_space<vmem>>) target(%dma_start3A_43 : memref<80x256xf32, #tpu.memory_space<hbm>>) target_semaphore(%run_scoped3A : memref<!tpu.dma_semaphore, #tpu.memory_space<semaphore_mem>>)
          %dma_wait3A_44 = arith.constant 0 : i32
          %dma_wait3A_45 = tpu.memref_slice %arg4[%add3A_39, %dma_wait3A_44] : memref<10240x256xf32, #tpu.memory_space<hbm>> -> memref<80x256xf32, #tpu.memory_space<hbm>>
          %dma_wait3A_46 = arith.constant 0 : i32
          %dma_wait3A_47 = tpu.memref_slice %arg4[%add3A_39, %dma_wait3A_46] : memref<10240x256xf32, #tpu.memory_space<hbm>> -> memref<80x256xf32, #tpu.memory_space<hbm>>
          tpu.wait_dma2 semaphore(%run_scoped3A : memref<!tpu.dma_semaphore, #tpu.memory_space<semaphore_mem>>) src(%arg7 : memref<80x256xf32, #tpu.memory_space<vmem>>) dst(%dma_wait3A_47 : memref<80x256xf32, #tpu.memory_space<hbm>>)
          tpu.yield
        }) : () -> ()
      } else {
      }
    }
    %scan3A_10 = arith.constant 4 : i32
    return
  }
}

module attributes {stable_mosaic.version = 14 : i64} {
  func.func @_enc_body(%arg0: i32, %arg1: memref<256x256xf32, #tpu.memory_space<vmem>>, %arg2: memref<256x1024xbf16, #tpu.memory_space<vmem>>, %arg3: memref<1024xf32, #tpu.memory_space<vmem>>, %arg4: memref<1024x1024xbf16, #tpu.memory_space<vmem>>, %arg5: memref<1024xf32, #tpu.memory_space<vmem>>, %arg6: memref<1024x1024xbf16, #tpu.memory_space<vmem>>, %arg7: memref<1024xf32, #tpu.memory_space<vmem>>, %arg8: memref<1024x256xbf16, #tpu.memory_space<vmem>>, %arg9: memref<256xf32, #tpu.memory_space<vmem>>, %arg10: memref<256x1024xbf16, #tpu.memory_space<vmem>>, %arg11: memref<1024xf32, #tpu.memory_space<vmem>>, %arg12: memref<1024x256xbf16, #tpu.memory_space<vmem>>, %arg13: memref<256xf32, #tpu.memory_space<vmem>>, %arg14: memref<256x1024xbf16, #tpu.memory_space<vmem>>, %arg15: memref<1024xf32, #tpu.memory_space<vmem>>, %arg16: memref<1024x1280xbf16, #tpu.memory_space<vmem>>, %arg17: memref<1280xf32, #tpu.memory_space<vmem>>, %arg18: memref<256x1280xf32, #tpu.memory_space<vmem>>) attributes {dimension_semantics = [#tpu.dimension_semantics<parallel>], iteration_bounds = array<i64: 8>, scalar_prefetch = 0 : i64, scratch_operands = 0 : i64, tpu.core_type = #tpu.core_type<tc>, window_params = [{transform_indices = @transform_0, window_bounds = array<i64: 256, 256>}, {pipeline_mode = #tpu.pipeline_mode<synchronous>, transform_indices = @transform_1, window_bounds = array<i64: 256, 1024>}, {pipeline_mode = #tpu.pipeline_mode<synchronous>, transform_indices = @transform_2, window_bounds = array<i64: 1024>}, {pipeline_mode = #tpu.pipeline_mode<synchronous>, transform_indices = @transform_3, window_bounds = array<i64: 1024, 1024>}, {pipeline_mode = #tpu.pipeline_mode<synchronous>, transform_indices = @transform_4, window_bounds = array<i64: 1024>}, {pipeline_mode = #tpu.pipeline_mode<synchronous>, transform_indices = @transform_5, window_bounds = array<i64: 1024, 1024>}, {pipeline_mode = #tpu.pipeline_mode<synchronous>, transform_indices = @transform_6, window_bounds = array<i64: 1024>}, {pipeline_mode = #tpu.pipeline_mode<synchronous>, transform_indices = @transform_7, window_bounds = array<i64: 1024, 256>}, {pipeline_mode = #tpu.pipeline_mode<synchronous>, transform_indices = @transform_8, window_bounds = array<i64: 256>}, {pipeline_mode = #tpu.pipeline_mode<synchronous>, transform_indices = @transform_9, window_bounds = array<i64: 256, 1024>}, {pipeline_mode = #tpu.pipeline_mode<synchronous>, transform_indices = @transform_10, window_bounds = array<i64: 1024>}, {pipeline_mode = #tpu.pipeline_mode<synchronous>, transform_indices = @transform_11, window_bounds = array<i64: 1024, 256>}, {pipeline_mode = #tpu.pipeline_mode<synchronous>, transform_indices = @transform_12, window_bounds = array<i64: 256>}, {pipeline_mode = #tpu.pipeline_mode<synchronous>, transform_indices = @transform_13, window_bounds = array<i64: 256, 1024>}, {pipeline_mode = #tpu.pipeline_mode<synchronous>, transform_indices = @transform_14, window_bounds = array<i64: 1024>}, {pipeline_mode = #tpu.pipeline_mode<synchronous>, transform_indices = @transform_15, window_bounds = array<i64: 1024, 1280>}, {pipeline_mode = #tpu.pipeline_mode<synchronous>, transform_indices = @transform_16, window_bounds = array<i64: 1280>}, {transform_indices = @transform_17, window_bounds = array<i64: 256, 1280>}]} {
    %get3A = arith.constant 0 : index
    %get3A_0 = arith.constant 0 : index
    %get3A_1 = vector.load %arg1[%get3A, %get3A_0] : memref<256x256xf32, #tpu.memory_space<vmem>>, vector<256x256xf32>
    %convert_element_type3A = arith.truncf %get3A_1 : vector<256x256xf32> to vector<256x256xbf16>
    %get3A_2 = arith.constant 0 : index
    %get3A_3 = arith.constant 0 : index
    %get3A_4 = vector.load %arg2[%get3A_2, %get3A_3] : memref<256x1024xbf16, #tpu.memory_space<vmem>>, vector<256x1024xbf16>
    %dot_general3A = arith.constant dense<0.000000e+00> : vector<256x1024xf32>
    %dot_general3A_5 = tpu.matmul %convert_element_type3A, %get3A_4, %dot_general3A {dimension_numbers = #tpu.dot_dimension_numbers<[1], [0], [0], [1], [0, 0, 1, 1], [], []>, transpose_lhs_hint = false} : vector<256x256xbf16>, vector<256x1024xbf16>, vector<256x1024xf32> -> vector<256x1024xf32>
    %get3A_6 = arith.constant 0 : index
    %get3A_7 = vector.load %arg3[%get3A_6] : memref<1024xf32, #tpu.memory_space<vmem>>, vector<1024xf32>
    %broadcast_in_dim3A = vector.shape_cast %get3A_7 : vector<1024xf32> to vector<1x1024xf32>
    %add3A = vector.broadcast %broadcast_in_dim3A : vector<1x1024xf32> to vector<256x1024xf32>
    %add3A_8 = arith.addf %dot_general3A_5, %add3A : vector<256x1024xf32>
    %max3A = arith.constant 0.000000e+00 : f32
    %max3A_9 = vector.broadcast %max3A : f32 to vector<256x1024xf32>
    %max3A_10 = arith.maximumf %add3A_8, %max3A_9 : vector<256x1024xf32>
    %convert_element_type3A_11 = arith.truncf %max3A_10 : vector<256x1024xf32> to vector<256x1024xbf16>
    %get3A_12 = arith.constant 0 : index
    %get3A_13 = arith.constant 0 : index
    %get3A_14 = vector.load %arg4[%get3A_12, %get3A_13] : memref<1024x1024xbf16, #tpu.memory_space<vmem>>, vector<1024x1024xbf16>
    %dot_general3A_15 = arith.constant dense<0.000000e+00> : vector<256x1024xf32>
    %dot_general3A_16 = tpu.matmul %convert_element_type3A_11, %get3A_14, %dot_general3A_15 {dimension_numbers = #tpu.dot_dimension_numbers<[1], [0], [0], [1], [0, 0, 1, 1], [], []>, transpose_lhs_hint = false} : vector<256x1024xbf16>, vector<1024x1024xbf16>, vector<256x1024xf32> -> vector<256x1024xf32>
    %get3A_17 = arith.constant 0 : index
    %get3A_18 = vector.load %arg5[%get3A_17] : memref<1024xf32, #tpu.memory_space<vmem>>, vector<1024xf32>
    %broadcast_in_dim3A_19 = vector.shape_cast %get3A_18 : vector<1024xf32> to vector<1x1024xf32>
    %add3A_20 = vector.broadcast %broadcast_in_dim3A_19 : vector<1x1024xf32> to vector<256x1024xf32>
    %add3A_21 = arith.addf %dot_general3A_16, %add3A_20 : vector<256x1024xf32>
    %max3A_22 = arith.constant 0.000000e+00 : f32
    %max3A_23 = vector.broadcast %max3A_22 : f32 to vector<256x1024xf32>
    %max3A_24 = arith.maximumf %add3A_21, %max3A_23 : vector<256x1024xf32>
    %convert_element_type3A_25 = arith.truncf %max3A_24 : vector<256x1024xf32> to vector<256x1024xbf16>
    %get3A_26 = arith.constant 0 : index
    %get3A_27 = arith.constant 0 : index
    %get3A_28 = vector.load %arg4[%get3A_26, %get3A_27] : memref<1024x1024xbf16, #tpu.memory_space<vmem>>, vector<1024x1024xbf16>
    %dot_general3A_29 = arith.constant dense<0.000000e+00> : vector<256x1024xf32>
    %dot_general3A_30 = tpu.matmul %convert_element_type3A_25, %get3A_28, %dot_general3A_29 {dimension_numbers = #tpu.dot_dimension_numbers<[1], [0], [0], [1], [0, 0, 1, 1], [], []>, transpose_lhs_hint = false} : vector<256x1024xbf16>, vector<1024x1024xbf16>, vector<256x1024xf32> -> vector<256x1024xf32>
    %get3A_31 = arith.constant 0 : index
    %get3A_32 = vector.load %arg5[%get3A_31] : memref<1024xf32, #tpu.memory_space<vmem>>, vector<1024xf32>
    %broadcast_in_dim3A_33 = vector.shape_cast %get3A_32 : vector<1024xf32> to vector<1x1024xf32>
    %add3A_34 = vector.broadcast %broadcast_in_dim3A_33 : vector<1x1024xf32> to vector<256x1024xf32>
    %add3A_35 = arith.addf %dot_general3A_30, %add3A_34 : vector<256x1024xf32>
    %max3A_36 = arith.constant 0.000000e+00 : f32
    %max3A_37 = vector.broadcast %max3A_36 : f32 to vector<256x1024xf32>
    %max3A_38 = arith.maximumf %add3A_35, %max3A_37 : vector<256x1024xf32>
    %convert_element_type3A_39 = arith.truncf %max3A_38 : vector<256x1024xf32> to vector<256x1024xbf16>
    %get3A_40 = arith.constant 0 : index
    %get3A_41 = arith.constant 0 : index
    %get3A_42 = vector.load %arg4[%get3A_40, %get3A_41] : memref<1024x1024xbf16, #tpu.memory_space<vmem>>, vector<1024x1024xbf16>
    %dot_general3A_43 = arith.constant dense<0.000000e+00> : vector<256x1024xf32>
    %dot_general3A_44 = tpu.matmul %convert_element_type3A_39, %get3A_42, %dot_general3A_43 {dimension_numbers = #tpu.dot_dimension_numbers<[1], [0], [0], [1], [0, 0, 1, 1], [], []>, transpose_lhs_hint = false} : vector<256x1024xbf16>, vector<1024x1024xbf16>, vector<256x1024xf32> -> vector<256x1024xf32>
    %get3A_45 = arith.constant 0 : index
    %get3A_46 = vector.load %arg5[%get3A_45] : memref<1024xf32, #tpu.memory_space<vmem>>, vector<1024xf32>
    %broadcast_in_dim3A_47 = vector.shape_cast %get3A_46 : vector<1024xf32> to vector<1x1024xf32>
    %add3A_48 = vector.broadcast %broadcast_in_dim3A_47 : vector<1x1024xf32> to vector<256x1024xf32>
    %add3A_49 = arith.addf %dot_general3A_44, %add3A_48 : vector<256x1024xf32>
    %max3A_50 = arith.constant 0.000000e+00 : f32
    %max3A_51 = vector.broadcast %max3A_50 : f32 to vector<256x1024xf32>
    %max3A_52 = arith.maximumf %add3A_49, %max3A_51 : vector<256x1024xf32>
    %convert_element_type3A_53 = arith.truncf %max3A_52 : vector<256x1024xf32> to vector<256x1024xbf16>
    %get3A_54 = arith.constant 0 : index
    %get3A_55 = arith.constant 0 : index
    %get3A_56 = vector.load %arg4[%get3A_54, %get3A_55] : memref<1024x1024xbf16, #tpu.memory_space<vmem>>, vector<1024x1024xbf16>
    %dot_general3A_57 = arith.constant dense<0.000000e+00> : vector<256x1024xf32>
    %dot_general3A_58 = tpu.matmul %convert_element_type3A_53, %get3A_56, %dot_general3A_57 {dimension_numbers = #tpu.dot_dimension_numbers<[1], [0], [0], [1], [0, 0, 1, 1], [], []>, transpose_lhs_hint = false} : vector<256x1024xbf16>, vector<1024x1024xbf16>, vector<256x1024xf32> -> vector<256x1024xf32>
    %get3A_59 = arith.constant 0 : index
    %get3A_60 = vector.load %arg5[%get3A_59] : memref<1024xf32, #tpu.memory_space<vmem>>, vector<1024xf32>
    %broadcast_in_dim3A_61 = vector.shape_cast %get3A_60 : vector<1024xf32> to vector<1x1024xf32>
    %add3A_62 = vector.broadcast %broadcast_in_dim3A_61 : vector<1x1024xf32> to vector<256x1024xf32>
    %add3A_63 = arith.addf %dot_general3A_58, %add3A_62 : vector<256x1024xf32>
    %max3A_64 = arith.constant 0.000000e+00 : f32
    %max3A_65 = vector.broadcast %max3A_64 : f32 to vector<256x1024xf32>
    %max3A_66 = arith.maximumf %add3A_63, %max3A_65 : vector<256x1024xf32>
    %convert_element_type3A_67 = arith.truncf %max3A_66 : vector<256x1024xf32> to vector<256x1024xbf16>
    %get3A_68 = arith.constant 0 : index
    %get3A_69 = arith.constant 0 : index
    %get3A_70 = vector.load %arg6[%get3A_68, %get3A_69] : memref<1024x1024xbf16, #tpu.memory_space<vmem>>, vector<1024x1024xbf16>
    %dot_general3A_71 = arith.constant dense<0.000000e+00> : vector<256x1024xf32>
    %dot_general3A_72 = tpu.matmul %convert_element_type3A_67, %get3A_70, %dot_general3A_71 {dimension_numbers = #tpu.dot_dimension_numbers<[1], [0], [0], [1], [0, 0, 1, 1], [], []>, transpose_lhs_hint = false} : vector<256x1024xbf16>, vector<1024x1024xbf16>, vector<256x1024xf32> -> vector<256x1024xf32>
    %get3A_73 = arith.constant 0 : index
    %get3A_74 = vector.load %arg7[%get3A_73] : memref<1024xf32, #tpu.memory_space<vmem>>, vector<1024xf32>
    %broadcast_in_dim3A_75 = vector.shape_cast %get3A_74 : vector<1024xf32> to vector<1x1024xf32>
    %add3A_76 = vector.broadcast %broadcast_in_dim3A_75 : vector<1x1024xf32> to vector<256x1024xf32>
    %add3A_77 = arith.addf %dot_general3A_72, %add3A_76 : vector<256x1024xf32>
    %max3A_78 = arith.constant 0.000000e+00 : f32
    %max3A_79 = vector.broadcast %max3A_78 : f32 to vector<256x1024xf32>
    %max3A_80 = arith.maximumf %add3A_77, %max3A_79 : vector<256x1024xf32>
    %convert_element_type3A_81 = arith.truncf %max3A_80 : vector<256x1024xf32> to vector<256x1024xbf16>
    %get3A_82 = arith.constant 0 : index
    %get3A_83 = arith.constant 0 : index
    %get3A_84 = vector.load %arg8[%get3A_82, %get3A_83] : memref<1024x256xbf16, #tpu.memory_space<vmem>>, vector<1024x256xbf16>
    %dot_general3A_85 = arith.constant dense<0.000000e+00> : vector<256x256xf32>
    %dot_general3A_86 = tpu.matmul %convert_element_type3A_81, %get3A_84, %dot_general3A_85 {dimension_numbers = #tpu.dot_dimension_numbers<[1], [0], [0], [1], [0, 0, 1, 1], [], []>, transpose_lhs_hint = false} : vector<256x1024xbf16>, vector<1024x256xbf16>, vector<256x256xf32> -> vector<256x256xf32>
    %get3A_87 = arith.constant 0 : index
    %get3A_88 = vector.load %arg9[%get3A_87] : memref<256xf32, #tpu.memory_space<vmem>>, vector<256xf32>
    %broadcast_in_dim3A_89 = vector.shape_cast %get3A_88 : vector<256xf32> to vector<1x256xf32>
    %add3A_90 = vector.broadcast %broadcast_in_dim3A_89 : vector<1x256xf32> to vector<256x256xf32>
    %add3A_91 = arith.addf %dot_general3A_86, %add3A_90 : vector<256x256xf32>
    %max3A_92 = arith.constant 0.000000e+00 : f32
    %max3A_93 = vector.broadcast %max3A_92 : f32 to vector<256x256xf32>
    %max3A_94 = arith.maximumf %add3A_91, %max3A_93 : vector<256x256xf32>
    %convert_element_type3A_95 = arith.truncf %max3A_94 : vector<256x256xf32> to vector<256x256xbf16>
    %get3A_96 = arith.constant 0 : index
    %get3A_97 = arith.constant 0 : index
    %get3A_98 = vector.load %arg10[%get3A_96, %get3A_97] : memref<256x1024xbf16, #tpu.memory_space<vmem>>, vector<256x1024xbf16>
    %dot_general3A_99 = arith.constant dense<0.000000e+00> : vector<256x1024xf32>
    %dot_general3A_100 = tpu.matmul %convert_element_type3A_95, %get3A_98, %dot_general3A_99 {dimension_numbers = #tpu.dot_dimension_numbers<[1], [0], [0], [1], [0, 0, 1, 1], [], []>, transpose_lhs_hint = false} : vector<256x256xbf16>, vector<256x1024xbf16>, vector<256x1024xf32> -> vector<256x1024xf32>
    %get3A_101 = arith.constant 0 : index
    %get3A_102 = vector.load %arg11[%get3A_101] : memref<1024xf32, #tpu.memory_space<vmem>>, vector<1024xf32>
    %broadcast_in_dim3A_103 = vector.shape_cast %get3A_102 : vector<1024xf32> to vector<1x1024xf32>
    %add3A_104 = vector.broadcast %broadcast_in_dim3A_103 : vector<1x1024xf32> to vector<256x1024xf32>
    %add3A_105 = arith.addf %dot_general3A_100, %add3A_104 : vector<256x1024xf32>
    %add3A_106 = arith.addf %add3A_77, %add3A_105 : vector<256x1024xf32>
    %max3A_107 = arith.constant 0.000000e+00 : f32
    %max3A_108 = vector.broadcast %max3A_107 : f32 to vector<256x1024xf32>
    %max3A_109 = arith.maximumf %add3A_106, %max3A_108 : vector<256x1024xf32>
    %convert_element_type3A_110 = arith.truncf %max3A_109 : vector<256x1024xf32> to vector<256x1024xbf16>
    %get3A_111 = arith.constant 0 : index
    %get3A_112 = arith.constant 0 : index
    %get3A_113 = vector.load %arg12[%get3A_111, %get3A_112] : memref<1024x256xbf16, #tpu.memory_space<vmem>>, vector<1024x256xbf16>
    %dot_general3A_114 = arith.constant dense<0.000000e+00> : vector<256x256xf32>
    %dot_general3A_115 = tpu.matmul %convert_element_type3A_110, %get3A_113, %dot_general3A_114 {dimension_numbers = #tpu.dot_dimension_numbers<[1], [0], [0], [1], [0, 0, 1, 1], [], []>, transpose_lhs_hint = false} : vector<256x1024xbf16>, vector<1024x256xbf16>, vector<256x256xf32> -> vector<256x256xf32>
    %get3A_116 = arith.constant 0 : index
    %get3A_117 = vector.load %arg13[%get3A_116] : memref<256xf32, #tpu.memory_space<vmem>>, vector<256xf32>
    %broadcast_in_dim3A_118 = vector.shape_cast %get3A_117 : vector<256xf32> to vector<1x256xf32>
    %add3A_119 = vector.broadcast %broadcast_in_dim3A_118 : vector<1x256xf32> to vector<256x256xf32>
    %add3A_120 = arith.addf %dot_general3A_115, %add3A_119 : vector<256x256xf32>
    %max3A_121 = arith.constant 0.000000e+00 : f32
    %max3A_122 = vector.broadcast %max3A_121 : f32 to vector<256x256xf32>
    %max3A_123 = arith.maximumf %add3A_120, %max3A_122 : vector<256x256xf32>
    %convert_element_type3A_124 = arith.truncf %max3A_123 : vector<256x256xf32> to vector<256x256xbf16>
    %get3A_125 = arith.constant 0 : index
    %get3A_126 = arith.constant 0 : index
    %get3A_127 = vector.load %arg14[%get3A_125, %get3A_126] : memref<256x1024xbf16, #tpu.memory_space<vmem>>, vector<256x1024xbf16>
    %dot_general3A_128 = arith.constant dense<0.000000e+00> : vector<256x1024xf32>
    %dot_general3A_129 = tpu.matmul %convert_element_type3A_124, %get3A_127, %dot_general3A_128 {dimension_numbers = #tpu.dot_dimension_numbers<[1], [0], [0], [1], [0, 0, 1, 1], [], []>, transpose_lhs_hint = false} : vector<256x256xbf16>, vector<256x1024xbf16>, vector<256x1024xf32> -> vector<256x1024xf32>
    %get3A_130 = arith.constant 0 : index
    %get3A_131 = vector.load %arg15[%get3A_130] : memref<1024xf32, #tpu.memory_space<vmem>>, vector<1024xf32>
    %broadcast_in_dim3A_132 = vector.shape_cast %get3A_131 : vector<1024xf32> to vector<1x1024xf32>
    %add3A_133 = vector.broadcast %broadcast_in_dim3A_132 : vector<1x1024xf32> to vector<256x1024xf32>
    %add3A_134 = arith.addf %dot_general3A_129, %add3A_133 : vector<256x1024xf32>
    %add3A_135 = arith.addf %add3A_106, %add3A_134 : vector<256x1024xf32>
    %max3A_136 = arith.constant 0.000000e+00 : f32
    %max3A_137 = vector.broadcast %max3A_136 : f32 to vector<256x1024xf32>
    %max3A_138 = arith.maximumf %add3A_135, %max3A_137 : vector<256x1024xf32>
    %convert_element_type3A_139 = arith.truncf %max3A_138 : vector<256x1024xf32> to vector<256x1024xbf16>
    %get3A_140 = arith.constant 0 : index
    %get3A_141 = arith.constant 0 : index
    %get3A_142 = vector.load %arg16[%get3A_140, %get3A_141] : memref<1024x1280xbf16, #tpu.memory_space<vmem>>, vector<1024x1280xbf16>
    %dot_general3A_143 = arith.constant dense<0.000000e+00> : vector<256x1280xf32>
    %dot_general3A_144 = tpu.matmul %convert_element_type3A_139, %get3A_142, %dot_general3A_143 {dimension_numbers = #tpu.dot_dimension_numbers<[1], [0], [0], [1], [0, 0, 1, 1], [], []>, transpose_lhs_hint = false} : vector<256x1024xbf16>, vector<1024x1280xbf16>, vector<256x1280xf32> -> vector<256x1280xf32>
    %get3A_145 = arith.constant 0 : index
    %get3A_146 = vector.load %arg17[%get3A_145] : memref<1280xf32, #tpu.memory_space<vmem>>, vector<1280xf32>
    %broadcast_in_dim3A_147 = vector.shape_cast %get3A_146 : vector<1280xf32> to vector<1x1280xf32>
    %add3A_148 = vector.broadcast %broadcast_in_dim3A_147 : vector<1x1280xf32> to vector<256x1280xf32>
    %add3A_149 = arith.addf %dot_general3A_144, %add3A_148 : vector<256x1280xf32>
    %swap3A = arith.constant 0 : index
    %swap3A_150 = arith.constant 0 : index
    %swap3A_151 = vector.load %arg18[%swap3A, %swap3A_150] : memref<256x1280xf32, #tpu.memory_space<vmem>>, vector<256x1280xf32>
    tpu.vector_store %arg18[%swap3A, %swap3A_150], %add3A_149 {strides = array<i32>} : memref<256x1280xf32, #tpu.memory_space<vmem>>, vector<256x1280xf32>,
    return
  }
  func.func @transform_0(%arg0: i32) -> (i32, i32) {
    %c0_i32 = arith.constant 0 : i32
    %c0_i32_0 = arith.constant 0 : i32
    return %arg0, %c0_i32 : i32, i32
  }
  func.func @transform_1(%arg0: i32) -> (i32, i32) {
    %c0_i32 = arith.constant 0 : i32
    %c0_i32_0 = arith.constant 0 : i32
    %c0_i32_1 = arith.constant 0 : i32
    return %c0_i32, %c0_i32_0 : i32, i32
  }
  func.func @transform_2(%arg0: i32) -> i32 {
    %c0_i32 = arith.constant 0 : i32
    %c0_i32_0 = arith.constant 0 : i32
    return %c0_i32 : i32
  }
  func.func @transform_3(%arg0: i32) -> (i32, i32) {
    %c0_i32 = arith.constant 0 : i32
    %c0_i32_0 = arith.constant 0 : i32
    %c0_i32_1 = arith.constant 0 : i32
    return %c0_i32, %c0_i32_0 : i32, i32
  }
  func.func @transform_4(%arg0: i32) -> i32 {
    %c0_i32 = arith.constant 0 : i32
    %c0_i32_0 = arith.constant 0 : i32
    return %c0_i32 : i32
  }
  func.func @transform_5(%arg0: i32) -> (i32, i32) {
    %c0_i32 = arith.constant 0 : i32
    %c0_i32_0 = arith.constant 0 : i32
    %c0_i32_1 = arith.constant 0 : i32
    return %c0_i32, %c0_i32_0 : i32, i32
  }
  func.func @transform_6(%arg0: i32) -> i32 {
    %c0_i32 = arith.constant 0 : i32
    %c0_i32_0 = arith.constant 0 : i32
    return %c0_i32 : i32
  }
  func.func @transform_7(%arg0: i32) -> (i32, i32) {
    %c0_i32 = arith.constant 0 : i32
    %c0_i32_0 = arith.constant 0 : i32
    %c0_i32_1 = arith.constant 0 : i32
    return %c0_i32, %c0_i32_0 : i32, i32
  }
  func.func @transform_8(%arg0: i32) -> i32 {
    %c0_i32 = arith.constant 0 : i32
    %c0_i32_0 = arith.constant 0 : i32
    return %c0_i32 : i32
  }
  func.func @transform_9(%arg0: i32) -> (i32, i32) {
    %c0_i32 = arith.constant 0 : i32
    %c0_i32_0 = arith.constant 0 : i32
    %c0_i32_1 = arith.constant 0 : i32
    return %c0_i32, %c0_i32_0 : i32, i32
  }
  func.func @transform_10(%arg0: i32) -> i32 {
    %c0_i32 = arith.constant 0 : i32
    %c0_i32_0 = arith.constant 0 : i32
    return %c0_i32 : i32
  }
  func.func @transform_11(%arg0: i32) -> (i32, i32) {
    %c0_i32 = arith.constant 0 : i32
    %c0_i32_0 = arith.constant 0 : i32
    %c0_i32_1 = arith.constant 0 : i32
    return %c0_i32, %c0_i32_0 : i32, i32
  }
  func.func @transform_12(%arg0: i32) -> i32 {
    %c0_i32 = arith.constant 0 : i32
    %c0_i32_0 = arith.constant 0 : i32
    return %c0_i32 : i32
  }
  func.func @transform_13(%arg0: i32) -> (i32, i32) {
    %c0_i32 = arith.constant 0 : i32
    %c0_i32_0 = arith.constant 0 : i32
    %c0_i32_1 = arith.constant 0 : i32
    return %c0_i32, %c0_i32_0 : i32, i32
  }
  func.func @transform_14(%arg0: i32) -> i32 {
    %c0_i32 = arith.constant 0 : i32
    %c0_i32_0 = arith.constant 0 : i32
    return %c0_i32 : i32
  }
  func.func @transform_15(%arg0: i32) -> (i32, i32) {
    %c0_i32 = arith.constant 0 : i32
    %c0_i32_0 = arith.constant 0 : i32
    %c0_i32_1 = arith.constant 0 : i32
    return %c0_i32, %c0_i32_0 : i32, i32
  }
  func.func @transform_16(%arg0: i32) -> i32 {
    %c0_i32 = arith.constant 0 : i32
    %c0_i32_0 = arith.constant 0 : i32
    return %c0_i32 : i32
  }
  func.func @transform_17(%arg0: i32) -> (i32, i32) {
    %c0_i32 = arith.constant 0 : i32
    %c0_i32_0 = arith.constant 0 : i32
    return %arg0, %c0_i32 : i32, i32
  }
}

</mosaic_0001>

<sc_bundles>
// kernel: kernel.4.cloned.1.call-start
scs
__scs_entry_jumppad:
0x0: {  	(pc) =	sbr.rel $0x88, $3  }
0x1: {  	(tag) =	ssettag $0x0;
	lr =	simm.s32 $0x1  }
0x2: {  	[smem:$0x3F8F] =	sst lr;
	_ =	strace $0xD0000000  }
0x3: {  	_ = 	snop  }
0x4: {  	_ = 	snop  }
0x5: {  	_ = 	snop  }
0x6: {  	_ = 	snop  }
0x7: {  	_ = 	snop  }
__scs_overlays_trampoline_lowered:
0x8: {  	[smem:$0x3F9E] =	sst s0  }
0x9: {  	[smem:$0x3F9F] =	sst s1  }
0xa: {  	[smem:$0x3FA0] =	sst s2  }
0xb: {  	[smem:$0x3FA1] =	sst s3  }
0xc: {  	[smem:$0x3FA2] =	sst s4  }
0xd: {  	[smem:$0x3FA3] =	sst s5  }
0xe: {  	[smem:$0x3FA4] =	sst s6  }
0xf: {  	[smem:$0x3FA5] =	sst s7  }
0x10: {  	[smem:$0x3FA6] =	sst s8  }
0x11: {  	[smem:$0x3FA7] =	sst s9;
	s0 =	simm.s32 @!p0 $0x0  }
0x12: {  	s1 =	sld [smem:$0x3F8D];
	s0 =	simm.s32 @p0 $0x1  }
0x13: {  	[smem:$0x3FA8] =	sst s0;
	s0 =	simm.s32 @!p1 $0x0  }
0x14: {  	s2 =	sld [smem:$0x3F8C];
	s0 =	simm.s32 @p1 $0x1  }
0x15: {  	[smem:$0x3FA9] =	sst s0;
	s0 =	simm.s32 @!p2 $0x0  }
0x16: {  	s3 =	sld [smem:$0x3FDB];
	s0 =	simm.s32 @p2 $0x1  }
0x17: {  	s4 =	simm.s32 $0x1BF5;
	[smem:$0x3FAB] =	sst s0  }
0x18: {  	s0 =	sld [smem:$0x3F8E];
	_ =	swait.ge [sflag:s4], $0x0  }
0x19: {  	s7 =	sld [smem:$0x3F8F]  }
0x1a: {  	s8 =	sadd.s32 $0xFFFFE003, lr  }
0x1b: {  	s9 =	sadd.s32 $0xFFFFFEF7, lr;
	s5 =	simm.s32 $0xFFFFFFFF;
	p2 =	slt.u32 s8, $0xFFFFF086  }
0x1c: {  	p1 =	slt.u32 s9, $0xF7A;
	s5 =	simm.s32 @!p2 $0x0  }
0x1d: {  	s5 =	simm.s32 @p1 $0x1;
	p0 =	seq.s32 s7, s2  }
0x1e: {  	s7 =	smul.u32 @!p0 $0xF7A, s2;
	p2 =	seq.s32 @!p0 s5, $0x0  }
0x1f: {  	s9 =	smul.u32 $0xF7A, s1;
	s8 =	simm.s32 @!p0 $0x1BF5;
	p2 =	por !p2, p0  }
0x20: {  	[sflag:s8] =	ssyncset.s32 @!p0 $0xFFFFF086;
	s6 =	sadd.s32 @!p0 s3, s7;
	s7 =	simm.s32 @!p0 $0x108  }
0x21: {  	s3 =	sadd.s32 s3, s9;
	s6 =	sadd.s32 @!p0 $0x88, s6;
	s7 =	simm.s32 @p2 $0x1082  }
0x22: {  	[simem:s7], [sflag:s8] =	dma.local @!p0 [hbm:s6], $0xF7A  }
0x23: {  	s9 =	sor.u32 $0xD0000000, s2;
	s6 =	simm.s32 $0x108;
	_ =	swait.ge @!p0 [sflag:s8], $0x0  }
0x24: {  	s3 =	sadd.s32 $0x88, s3;
	s6 =	simm.s32 @!p1 $0x1082;
	[sflag:s4] =	ssyncset.s32 $0xFFFFF086  }
0x25: {  	[simem:s6], [sflag:s4] =	dma.local [hbm:s3], $0xF7A  }
0x26: {  	[smem:$0x3F8F] =	sst s1;
	(tag) =	ssettag s2;
	_ =	strace s9  }
0x27: {  	s1 =	sld [smem:$0x3F9F]  }
0x28: {  	s2 =	sld [smem:$0x3FA0]  }
0x29: {  	s4 =	sld [smem:$0x3FA2]  }
0x2a: {  	p0 =	seq.s32 s5, $0x0;
	s5 =	sld [smem:$0x3FA3]  }
0x2b: {  	s6 =	sld [smem:$0x3FA4]  }
0x2c: {  	s7 =	sld [smem:$0x3FA5]  }
0x2d: {  	s3 =	simm.s32 $0x108;
	s8 =	sld [smem:$0x3FA6]  }
0x2e: {  	s3 =	simm.s32 @!p0 $0x1082;
	s9 =	sld [smem:$0x3FA7]  }
0x2f: {  	lr =	sadd.s32 s0, s3;
	s0 =	sld [smem:$0x3F9E]  }
0x30: {  	s3 =	sld [smem:$0x3FA1]  }
0x31: {  	[smem:$0x3FAA] =	sst s10  }
0x32: {  	s10 =	sld [smem:$0x3FA8];
	_ =	sdelay $0x3  }
0x33: {  	p0 =	seq.s32 s10, $0x1;
	s10 =	sld [smem:$0x3FAA];
	_ =	sdelay $0x3  }
0x34: {  	[smem:$0x3FAA] =	sst s10  }
0x35: {  	s10 =	sld [smem:$0x3FA9];
	_ =	sdelay $0x3  }
0x36: {  	p1 =	seq.s32 s10, $0x1;
	s10 =	sld [smem:$0x3FAA];
	_ =	sdelay $0x3  }
0x37: {  	[smem:$0x3FAA] =	sst s10  }
0x38: {  	s10 =	sld [smem:$0x3FAB]  }
0x39: {  	_ = 	snop;
	(pc) =	sbr.ind lr, $3  }
0x3a: {  	_ = 	snop  }
0x3b: {  	_ = 	snop  }
0x3c: {  	p2 =	seq.s32 s10, $0x1;
	s10 =	sld [smem:$0x3FAA]  }
0x3d: {  	_ =	shalt  }
0x3e: {  	_ =	shalt  }
0x3f: {  	_ =	shalt  }
0x40: {  	_ =	shalt  }
0x41: {  	_ =	shalt  }
0x42: {  	_ =	shalt  }
0x43: {  	_ =	shalt  }
0x44: {  	_ =	shalt  }
0x45: {  	_ =	shalt  }
0x46: {  	_ =	shalt  }
0x47: {  	_ =	shalt  }
0x48: {  	_ =	shalt  }
0x49: {  	_ =	shalt  }
0x4a: {  	_ =	shalt  }
0x4b: {  	_ =	shalt  }
0x4c: {  	_ =	shalt  }
0x4d: {  	_ =	shalt  }
0x4e: {  	_ =	shalt  }
0x4f: {  	_ =	shalt  }
0x50: {  	_ =	shalt  }
0x51: {  	_ =	shalt  }
0x52: {  	_ =	shalt  }
0x53: {  	_ =	shalt  }
0x54: {  	_ =	shalt  }
0x55: {  	_ =	shalt  }
0x56: {  	_ =	shalt  }
0x57: {  	_ =	shalt  }
0x58: {  	_ =	shalt  }
0x59: {  	_ =	shalt  }
0x5a: {  	_ =	shalt  }
0x5b: {  	_ =	shalt  }
0x5c: {  	_ =	shalt  }
0x5d: {  	_ =	shalt  }
0x5e: {  	_ =	shalt  }
0x5f: {  	_ =	shalt  }
0x60: {  	_ =	shalt  }
0x61: {  	_ =	shalt  }
0x62: {  	_ =	shalt  }
0x63: {  	_ =	shalt  }
0x64: {  	_ =	shalt  }
0x65: {  	_ =	shalt  }
0x66: {  	_ =	shalt  }
0x67: {  	_ =	shalt  }
0x68: {  	_ =	shalt  }
0x69: {  	_ =	shalt  }
0x6a: {  	_ =	shalt  }
0x6b: {  	_ =	shalt  }
0x6c: {  	_ =	shalt  }
0x6d: {  	_ =	shalt  }
0x6e: {  	_ =	shalt  }
0x6f: {  	_ =	shalt  }
0x70: {  	_ =	shalt  }
0x71: {  	_ =	shalt  }
0x72: {  	_ =	shalt  }
0x73: {  	_ =	shalt  }
0x74: {  	_ =	shalt  }
0x75: {  	_ =	shalt  }
0x76: {  	_ =	shalt  }
0x77: {  	_ =	shalt  }
0x78: {  	_ =	shalt  }
0x79: {  	_ =	shalt  }
0x7a: {  	_ =	shalt  }
0x7b: {  	_ =	shalt  }
0x7c: {  	_ =	shalt  }
0x7d: {  	_ =	shalt  }
0x7e: {  	_ =	shalt  }
0x7f: {  	_ =	shalt  }
0x80: {  	_ =	shalt  }
0x81: {  	_ =	shalt  }
0x82: {  	_ =	shalt  }
0x83: {  	_ =	shalt  }
0x84: {  	_ =	shalt  }
0x85: {  	_ =	shalt  }
0x86: {  	_ =	shalt  }
0x87: {  	_ =	shalt  }
.Lfunc_end0:
.L_simem_size_0:
called_computation.1_lowered:
.L_overlay_start_0:
0x88: {  	s2 =	sld [smem:$0x3FD9]  }
0x89: {  	s3 =	sld [smem:$0x3FFE];
	_ =	sdelay $0x1  }
0x8a: {  	s1 =	srdreg.scid  }
0x8b: {  	s0 =	sand.u32 $0x1, s1  }
0x8c: {  	s15 =	sshll.u32 s0, $0xA;
	s2 =	sadd.s32 s3, s2  }
0x8d: {  	s2 =	sadd.s32 s2, s15  }
0x8e: {  	[smem:$0x3FB6] =	sst s2  }
0x8f: {  	_ = 	snop  }
0x90: {  	s2 =	sld [smem:$0x3FD0];
	_ =	sdelay $0x2  }
0x91: {  	s4 =	simm.s32 $0xB;
	s16 =	simm.s32 $0x10  }
0x92: {  	[smem:s16], [sflag:s4] =	dma.local [hbm:s2], $0x1  }
0x93: {  	_ =	swait.eq [sflag:s4], $0x1  }
0x94: {  	[sflag:s4] =	ssyncset.done $0x0  }
0x95: {  	s17 =	sld [smem:$0x11];
	[sflag:s4] =	ssyncadd.s32 $0xFFFFFFFF  }
0x96: {  	s18 =	sld [smem:$0x12];
	(tm) =	ssettm $0x1  }
0x97: {  	s19 =	sld [smem:$0x3FFB];
	_ =	sdelay $0x3  }
0x98: {  	_ =	strace s19  }
0x99: {  	s2 =	sld [smem:$0x3FFC];
	_ =	sdelay $0x3  }
0x9a: {  	_ =	strace s2  }
0x9b: {  	s2 =	sld [smem:$0x3FFD];
	_ =	sdelay $0x3  }
0x9c: {  	_ =	strace s2  }
0x9d: {  	_ =	strace $0x8FFFFFFF  }
0x9e: {  	s20 =	sld [smem:$0x3FDB];
	_ =	sdelay $0x1  }
0x9f: {  	s5 =	simm.s32 $_scs_section_size  }
0xa0: {  	s6 =	simm.s32 $_size__tile_overlayer_lowered;
	s7 =	simm.s32 $_tile_overlayer_lowered  }
0xa1: {  	s8 =	simm.s32 $0x1BFF;
	s21 =	sshll.u32 s7, $0x1;
	s5 =	sadd.s32 s5, s20  }
0xa2: {  	s22 =	simm.s32 $0x0;
	s6 =	sshll.u32 s6, $0x1;
	s7 =	sadd.s32 s21, s5  }
0xa3: {  	[timem:s22], [sflag:s8] =	dma.local [hbm:s7], s6  }
0xa4: {  	_ =	swait.ge [sflag:s8], s6  }
0xa5: {  	s6 =	ssub.s32 $0x0, s6;
	[sflag:s8] =	ssyncset.done $0x0  }
0xa6: {  	[sflag:s8] =	ssyncadd.s32 s6;
	_ =	sdelay $0x1  }
0xa7: {  	s23 =	simm.s32 $0x1B8B  }
0xa8: {  	_ =	swait.ge [sflag:s23], $0x1  }
0xa9: {  	[sflag:s23] =	ssyncset.done $0x0  }
0xaa: {  	[sflag:s23] =	ssyncadd.s32 $0xFFFFFFFF  }
0xab: {  	s6 =	sld [smem:$0x0]  }
0xac: {  	s7 =	sand.u32 $0xFFFFFFFE, s1  }
0xad: {  	p0 =	sne.s32 s1, s7  }
0xae: {  	s7 =	sshll.u32 @p0 s7, $0xE  }
0xaf: {  	s7 =	sadd.s32 @p0 $0x11B8D, s7;
	s8 =	sshll.u32 @p0 s6, $0x11  }
0xb0: {  	s7 =	sor.u32 @p0 s8, s7  }
0xb1: {  	[sflag:s7] =	ssyncadd.remote.s32 @p0 $0x1;
	_ =	sdelay $0x1  }
0xb2: {  	s7 =	simm.s32 @p0 $0x1B8D  }
0xb3: {  	_ =	swait.eq @p0 [sflag:s7], $0x1  }
0xb4: {  	[sflag:s7] =	ssyncadd.s32 @p0 $0xFFFFFFFF  }
0xb5: {  	s8 =	sshll.u32 @!p0 s1, $0xE  }
0xb6: {  	s8 =	sor.u32 @!p0 $0x4000, s8;
	s7 =	simm.s32 @!p0 $0x1B8D  }
0xb7: {  	s6 =	sshll.u32 @!p0 s6, $0x11;
	s8 =	sadd.s32 @!p0 $0x11B8D, s8;
	_ =	swait.eq @!p0 [sflag:s7], $0x1  }
0xb8: {  	s6 =	sor.u32 @!p0 s6, s8;
	[sflag:s7] =	ssyncadd.s32 @!p0 $0xFFFFFFFF  }
0xb9: {  	s25 =	simm.s32 $0x1B8E;
	s24 =	sld [smem:$0x3FFE];
	[sflag:s6] =	ssyncadd.remote.s32 @!p0 $0x1  }
0xba: {  	s26 =	simm.s32 $execute0_lowered;
	[smem:$0x3FD2] =	sst s25  }
0xbb: {  	s7 =	sshll.u32 s26, $0x1;
	_ =	strace $0x80000049;
	[dreg:$0x1] =	wrdreg $0xFFFFFFFF  }
0xbc: {  	s28 =	simm.s32 $_size_execute0_lowered;
	s5 =	sadd.s32 s5, s7;
	[dreg:$0x0] =	wrdreg $0x0  }
0xbd: {  	s7 =	sshll.u32 s28, $0x1;
	[dreg:$0x2] =	wrdreg s5  }
0xbe: {  	[dreg:$0x3] =	wrdreg s7  }
0xbf: {  	[dreg:$0x4] =	wrdreg $0xC0  }
0xc0: {  	_ =	task [dreg:s22], $0x5FFFF  }
0xc1: {  	[dreg:$0x1] =	wrdreg $0xFFFFFFFF  }
0xc2: {  	[dreg:$0x0] =	wrdreg $0x60  }
0xc3: {  	[dreg:$0x2] =	wrdreg s18  }
0xc4: {  	[dreg:$0x3] =	wrdreg s17  }
0xc5: {  	[dreg:$0x4] =	wrdreg s24  }
0xc6: {  	[dreg:$0x5] =	wrdreg $0xA  }
0xc7: {  	_ =	task.clear_ibuf [dreg:s22], $0x6FFFF;
	_ =	strace $0x90000049  }
0xc8: {  	s29 =	simm.s32 $0xA;
	_ =	strace $0x8000004B  }
0xc9: {  	_ =	swait.ge [sflag:s29], $0x1  }
0xca: {  	[sflag:s29] =	ssyncadd.s32 $0xFFFFFFFF  }
0xcb: {  	_ =	strace $0x9000004B  }
0xcc: {  	_ =	sfence  }
0xcd: {  	s30 =	sld [smem:$0x0];
	_ =	sdelay $0x2  }
0xce: {  	s31 =	sshll.u32 s1, $0xD;
	s1 =	sshrl.u32 s1, $0x2  }
0xcf: {  	s4 =	sand.u32 $0x4000, s31;
	s1 =	sadd.s32 s1, s30  }
0xd0: {  	s0 =	sor.u32 s4, s0;
	s1 =	sshll.u32 s1, $0x11  }
0xd1: {  	s0 =	sor.u32 s1, s0  }
0xd2: {  	s0 =	sadd.s32 $0x8F2B, s0  }
0xd3: {  	[sflag:s0] =	ssyncadd.remote.s32 $0x1  }
0xd4: {  	_ =	sfence.sel $0xFFFF  }
0xd5: {  	[dreg:$0x0] =	wrdreg $0xFFFFFFFF;
	(pc) =	sbr.abs _section_cstart, $3  }
0xd6: {  	[dreg:$0x1] =	wrdreg $0xFFFFFFFF  }
0xd7: {  	_ =	task.clear_ibuf [dreg:s22], $0x2FFFF;
	_ =	strace $0x9FFFFFFF  }
0xd8: {  	(tm) =	ssettm $0x7FFFFFFF  }
0xd9: {  	_ =	shalt  }
tec
execute0_lowered:
.L_overlay_start_1:
0x0: {  	(tag) =	ssettag $0x1  }
0x1: {  	s1 =	rddreg [dreg:$0x0]  }
0x2: {  	s5 =	stileid.u32;
	s2 =	rddreg [dreg:$0x1]  }
0x3: {  	s0 =	srdreg.scid;
	s4 =	rddreg [dreg:$0x2];
	s8 =	simm.s32 $0x180  }
0x4: {  	s9 =	simm.s32 $0x980;
	s10 =	simm.s32 $0x1180;
	s11 =	simm.s32 $0x1980  }
0x5: {  	s12 =	simm.s32 $0x2180;
	s13 =	simm.s32 $0x2980;
	s14 =	simm.s32 $0x3180  }
0x6: {  	s15 =	simm.s32 $0x3980;
	s16 =	simm.s32 $0x4180;
	s17 =	simm.s32 $0x4980  }
0x7: {  	s18 =	simm.s32 $0x2;
	s19 =	simm.s32 $0x5180;
	s20 =	simm.s32 $0x5980  }
0x8: {  	s21 =	simm.s32 $0x6180;
	s22 =	simm.s32 $0x6980;
	s23 =	simm.s32 $0x7180  }
0x9: {  	s24 =	simm.s32 $0x7980;
	s28 =	simm.s32 $0x9180;
	s29 =	simm.s32 $0x9980  }
0xa: {  	s30 =	simm.s32 $0x1;
	s0 =	sand.u32 $0x1, s0;
	s3 =	sshll.u32 s5, $0x1  }
0xb: {  	s31 =	simm.s32 $0x0;
	s5 =	smul.u32 $0x5000, s5;
	s6 =	sor.u32 s0, s3  }
0xc: {  	s3 =	simm.s32 $0x0;
	s7 =	ssub.s32 $0x2, s0;
	s0 =	smul.u32 $0x2800, s0  }
0xd: {  	s6 =	smul.u32 $0x140, s6;
	[smem:$0x7FF] =	sst s3;
	s25 =	sshrl.u32 s7, $0x1  }
.Ltmp0:
0xe: {  	s4 =	sadd.s32 s5, s4;
	s5 =	ssub.s32 s7, s25;
	(pc) =	sbr.rel .LBB2_1-.Ltmp0, $4  }
0xf: {  	_ =	strace $0x8000004A;
	s0 =	sadd.s32 s0, s4;
	s26 =	smax.u32 s5, $0x1  }
0x10: {  	v2 =	vlaneseq.u32;
	s6 =	sshrl.u32 s6, $0x3;
	s0 =	sadd.s32 $0x51000, s0;
	[dreg:$0x5] =	wrdreg s26  }
0x11: {  	vm0 =	vmmov $0xffff;
	v1 =	vshrl.u32 v2, $0x3;
	v0 =	vand.u32 $0x7, v2;
	s7 =	simm.s32 $0x3;
	s2 =	sadd.s32 s2, s6;
	[dreg:$0x6] =	wrdreg s0  }
0x12: {  	v2 =	vor.u32 $0x8, v2;
	v1 =	vmul.u32 $0x8, v1;
	v3 =	vor.u32 $0x8, v0;
	s25 =	simm.s32 $0x8180;
	s26 =	simm.s32 $0x8980;
	[dreg:$0x4] =	wrdreg s2  }
.LBB2_10:
0x13: {  	s31 =	sadd.s32 $0x1, s31;
	s0 =	rddreg [dreg:$0x5]  }
0x14: {  	p0 =	sne.s32 s31, s0  }
.Ltmp1:
0x15: {  	_ = 	snop;
	(pc) =	sbr.rel @!p0 .LBB2_11-.Ltmp1, $1  }
0x16: {  	_ =	sdelay $0x3  }
.LBB2_1:
0x17: {  	s0 =	rddreg [dreg:$0x4]  }
0x18: {  	[tilespmem:s3], [sflag:$0x3] =	stream.linear.gather [hbm4b:s0+s3], $0x140, $0x38;
	[tilespmem:$0xA180] =	vst v63  }
0x19: {  	_ =	swait.ge [sflag:s7], $0x140  }
0x1a: {  	[sflag:s7] =	ssyncset.done $0x0  }
0x1b: {  	[sflag:s7] =	ssyncadd.s32 $0xFFFFFEC0  }
0x1c: {  	v4 =	vld [tilespmem:$0x0];
	_ =	sdelay $0x4  }
0x1d: {  	v5 =	vshll.u32 v4, $0x1  }
0x1e: {  	v4 =	vand.u32 $0x7, v4;
	v5 =	vand.u32 $0xFFFFFFF0, v5  }
0x1f: {  	v4 =	vor.u32 v4, v5  }
0x20: {  	v5 =	vperm.xlane v4, v0;
	_ =	sdelay $0x1  }
0x21: {  	v4 =	vperm.xlane v4, v2;
	v5 =	vadd.s32 v1, v5;
	_ =	sdelay $0x1  }
0x22: {  	v4 =	vadd.s32 v1, v4;
	_ =	sdelay $0x2  }
0x23: {  	[tilespmem:s8], [sflag:$0x1] =	stream.indirect_vreg.gather [hbm4b:s1+s3], $0x80, v5, vm0, $0xb8;
	[tilespmem:$0xA180] =	vst v63  }
0x24: {  	_ = 	snop  }
0x25: {  	[tilespmem:s9], [sflag:$0x1] =	stream.indirect_vreg.gather [hbm4b:s1+s3], $0x80, v4, vm0, $0xb8;
	[tilespmem:$0xA180] =	vst v63  }
0x26: {  	v4 =	vld [tilespmem:$0x10];
	_ =	sdelay $0x4  }
0x27: {  	v5 =	vshll.u32 v4, $0x1  }
0x28: {  	v4 =	vand.u32 $0x7, v4;
	v5 =	vand.u32 $0xFFFFFFF0, v5  }
0x29: {  	v4 =	vor.u32 v4, v5  }
0x2a: {  	v5 =	vperm.xlane v4, v0;
	_ =	sdelay $0x1  }
0x2b: {  	v4 =	vperm.xlane v4, v2;
	v5 =	vadd.s32 v1, v5;
	_ =	sdelay $0x1  }
0x2c: {  	v4 =	vadd.s32 v1, v4;
	_ =	sdelay $0x2  }
0x2d: {  	[tilespmem:s10], [sflag:$0x1] =	stream.indirect_vreg.gather [hbm4b:s1+s3], $0x80, v5, vm0, $0xb8;
	[tilespmem:$0xA180] =	vst v63  }
0x2e: {  	_ = 	snop  }
0x2f: {  	[tilespmem:s11], [sflag:$0x1] =	stream.indirect_vreg.gather [hbm4b:s1+s3], $0x80, v4, vm0, $0xb8;
	[tilespmem:$0xA180] =	vst v63  }
0x30: {  	v4 =	vld [tilespmem:$0x20];
	_ =	sdelay $0x4  }
0x31: {  	v5 =	vshll.u32 v4, $0x1  }
0x32: {  	v4 =	vand.u32 $0x7, v4;
	v5 =	vand.u32 $0xFFFFFFF0, v5  }
0x33: {  	v4 =	vor.u32 v4, v5  }
0x34: {  	v5 =	vperm.xlane v4, v0;
	_ =	sdelay $0x1  }
0x35: {  	v4 =	vperm.xlane v4, v2;
	v5 =	vadd.s32 v1, v5;
	_ =	sdelay $0x1  }
0x36: {  	v4 =	vadd.s32 v1, v4;
	_ =	sdelay $0x2  }
0x37: {  	[tilespmem:s12], [sflag:$0x1] =	stream.indirect_vreg.gather [hbm4b:s1+s3], $0x80, v5, vm0, $0xb8;
	[tilespmem:$0xA180] =	vst v63  }
0x38: {  	_ = 	snop  }
0x39: {  	[tilespmem:s13], [sflag:$0x1] =	stream.indirect_vreg.gather [hbm4b:s1+s3], $0x80, v4, vm0, $0xb8;
	[tilespmem:$0xA180] =	vst v63  }
0x3a: {  	v4 =	vld [tilespmem:$0x30];
	_ =	sdelay $0x4  }
0x3b: {  	v5 =	vshll.u32 v4, $0x1  }
0x3c: {  	v4 =	vand.u32 $0x7, v4;
	v5 =	vand.u32 $0xFFFFFFF0, v5  }
0x3d: {  	v4 =	vor.u32 v4, v5  }
0x3e: {  	v5 =	vperm.xlane v4, v0;
	_ =	sdelay $0x1  }
0x3f: {  	v4 =	vperm.xlane v4, v2;
	v5 =	vadd.s32 v1, v5;
	_ =	sdelay $0x1  }
0x40: {  	v4 =	vadd.s32 v1, v4;
	_ =	sdelay $0x2  }
0x41: {  	[tilespmem:s14], [sflag:$0x1] =	stream.indirect_vreg.gather [hbm4b:s1+s3], $0x80, v5, vm0, $0xb8;
	[tilespmem:$0xA180] =	vst v63  }
0x42: {  	_ = 	snop  }
0x43: {  	[tilespmem:s15], [sflag:$0x1] =	stream.indirect_vreg.gather [hbm4b:s1+s3], $0x80, v4, vm0, $0xb8;
	[tilespmem:$0xA180] =	vst v63  }
0x44: {  	v4 =	vld [tilespmem:$0x40];
	_ =	sdelay $0x4  }
0x45: {  	v5 =	vshll.u32 v4, $0x1  }
0x46: {  	v4 =	vand.u32 $0x7, v4;
	v5 =	vand.u32 $0xFFFFFFF0, v5  }
0x47: {  	v4 =	vor.u32 v4, v5  }
0x48: {  	v5 =	vperm.xlane v4, v0;
	_ =	sdelay $0x1  }
0x49: {  	v4 =	vperm.xlane v4, v2;
	v5 =	vadd.s32 v1, v5;
	_ =	sdelay $0x1  }
0x4a: {  	v4 =	vadd.s32 v1, v4  }
.Ltmp2:
0x4b: {  	_ = 	snop;
	(pc) =	sbr.rel .LBB2_2-.Ltmp2, $4  }
0x4c: {  	_ = 	snop  }
0x4d: {  	[tilespmem:s16], [sflag:$0x1] =	stream.indirect_vreg.gather [hbm4b:s1+s3], $0x80, v5, vm0, $0xb8;
	[tilespmem:$0xA180] =	vst v63  }
0x4e: {  	s2 =	simm.s32 $0x90;
	s4 =	simm.s32 $0x0;
	s6 =	rddreg [dreg:$0x6]  }
0x4f: {  	[tilespmem:s17], [sflag:$0x1] =	stream.indirect_vreg.gather [hbm4b:s1+s3], $0x80, v4, vm0, $0xb8;
	[tilespmem:$0xA180] =	vst v63  }
.LBB2_8:
0x50: {  	_ =	swait.ge [sflag:s18], $0x5000  }
0x51: {  	[sflag:s18] =	ssyncset.done $0x0  }
0x52: {  	s4 =	simm.s32 $0x3;
	[sflag:s18] =	ssyncadd.s32 $0xFFFFB000  }
0x53: {  	[hbm4b:s6+s3] =	stream.linear.scatter [tilespmem:s19], [sflag:$0x3], $0x5000, $0x38;
	[tilespmem:$0xA180] =	vst v63  }
.LBB2_9:
0x54: {  	p0 =	sne.s32 s5, $0x4  }
.Ltmp3:
0x55: {  	_ = 	snop;
	(pc) =	sbr.rel @!p0 .LBB2_10-.Ltmp3, $4  }
0x56: {  	_ = 	snop  }
0x57: {  	_ =	swait.ge [sflag:s4], $0x5000  }
0x58: {  	s6 =	sadd.s32 $0xA00, s6;
	[sflag:s4] =	ssyncset.done $0x0  }
0x59: {  	s2 =	sadd.s32 $0x50, s2;
	[sflag:s4] =	ssyncadd.s32 $0xFFFFB000;
	s4 =	smov.u32 s5  }
.LBB2_2:
0x5a: {  	p0 =	seq.s32 s4, $0x3  }
.Ltmp4:
0x5b: {  	_ = 	snop;
	(pc) =	sbr.rel @p0 .LBB2_8-.Ltmp4, $2  }
0x5c: {  	_ =	sdelay $0x2  }
0x5d: {  	s5 =	sadd.s32 $0x1, s4  }
0x5e: {  	v4 =	vld [tilespmem:s2+$0xFFFFFFC0];
	_ =	sdelay $0x3  }
0x5f: {  	s0 =	sand.u32 $0x1, s5  }
0x60: {  	p0 =	seq.s32 s0, $0x1;
	v5 =	vshll.u32 v4, $0x1  }
.Ltmp5:
0x61: {  	v4 =	vand.u32 $0x7, v4;
	v5 =	vand.u32 $0xFFFFFFF0, v5;
	(pc) =	sbr.rel @!p0 .LBB2_4-.Ltmp5, $3  }
0x62: {  	v4 =	vor.u32 v4, v5  }
0x63: {  	v5 =	vperm.xlane v4, v0;
	v4 =	vperm.xlane v4, v3;
	_ =	sdelay $0x1  }
0x64: {  	v5 =	vadd.s32 v1, v5;
	v4 =	vadd.s32 v1, v4  }
0x65: {  	_ =	sdelay $0x3  }
0x66: {  	[tilespmem:s19], [sflag:$0x2] =	stream.indirect_vreg.gather [hbm4b:s1+s3], $0x80, v5, vm0, $0xb8;
	[tilespmem:$0xA180] =	vst v63  }
0x67: {  	_ = 	snop  }
0x68: {  	[tilespmem:s20], [sflag:$0x2] =	stream.indirect_vreg.gather [hbm4b:s1+s3], $0x80, v4, vm0, $0xb8;
	[tilespmem:$0xA180] =	vst v63  }
0x69: {  	v4 =	vld [tilespmem:s2+$0xFFFFFFD0];
	_ =	sdelay $0x4  }
0x6a: {  	v5 =	vshll.u32 v4, $0x1  }
0x6b: {  	v4 =	vand.u32 $0x7, v4;
	v5 =	vand.u32 $0xFFFFFFF0, v5  }
0x6c: {  	v4 =	vor.u32 v4, v5  }
0x6d: {  	v5 =	vperm.xlane v4, v0;
	_ =	sdelay $0x1  }
0x6e: {  	v4 =	vperm.xlane v4, v3;
	v5 =	vadd.s32 v1, v5;
	_ =	sdelay $0x1  }
0x6f: {  	v4 =	vadd.s32 v1, v4;
	_ =	sdelay $0x2  }
0x70: {  	[tilespmem:s21], [sflag:$0x2] =	stream.indirect_vreg.gather [hbm4b:s1+s3], $0x80, v5, vm0, $0xb8;
	[tilespmem:$0xA180] =	vst v63  }
0x71: {  	_ = 	snop  }
0x72: {  	[tilespmem:s22], [sflag:$0x2] =	stream.indirect_vreg.gather [hbm4b:s1+s3], $0x80, v4, vm0, $0xb8;
	[tilespmem:$0xA180] =	vst v63  }
0x73: {  	v4 =	vld [tilespmem:s2+$0xFFFFFFE0];
	_ =	sdelay $0x4  }
0x74: {  	v5 =	vshll.u32 v4, $0x1  }
0x75: {  	v4 =	vand.u32 $0x7, v4;
	v5 =	vand.u32 $0xFFFFFFF0, v5  }
0x76: {  	v4 =	vor.u32 v4, v5  }
0x77: {  	v5 =	vperm.xlane v4, v0;
	_ =	sdelay $0x1  }
0x78: {  	v4 =	vperm.xlane v4, v3;
	v5 =	vadd.s32 v1, v5;
	_ =	sdelay $0x1  }
0x79: {  	v4 =	vadd.s32 v1, v4;
	_ =	sdelay $0x2  }
0x7a: {  	[tilespmem:s23], [sflag:$0x2] =	stream.indirect_vreg.gather [hbm4b:s1+s3], $0x80, v5, vm0, $0xb8;
	[tilespmem:$0xA180] =	vst v63  }
0x7b: {  	_ = 	snop  }
0x7c: {  	[tilespmem:s24], [sflag:$0x2] =	stream.indirect_vreg.gather [hbm4b:s1+s3], $0x80, v4, vm0, $0xb8;
	[tilespmem:$0xA180] =	vst v63  }
0x7d: {  	v4 =	vld [tilespmem:s2+$0xFFFFFFF0];
	_ =	sdelay $0x4  }
0x7e: {  	v5 =	vshll.u32 v4, $0x1  }
0x7f: {  	v4 =	vand.u32 $0x7, v4;
	v5 =	vand.u32 $0xFFFFFFF0, v5  }
0x80: {  	v4 =	vor.u32 v4, v5  }
0x81: {  	v5 =	vperm.xlane v4, v0;
	_ =	sdelay $0x1  }
0x82: {  	v4 =	vperm.xlane v4, v3;
	v5 =	vadd.s32 v1, v5;
	_ =	sdelay $0x1  }
0x83: {  	v4 =	vadd.s32 v1, v4;
	_ =	sdelay $0x2  }
0x84: {  	[tilespmem:s25], [sflag:$0x2] =	stream.indirect_vreg.gather [hbm4b:s1+s3], $0x80, v5, vm0, $0xb8;
	[tilespmem:$0xA180] =	vst v63  }
0x85: {  	_ = 	snop  }
0x86: {  	[tilespmem:s26], [sflag:$0x2] =	stream.indirect_vreg.gather [hbm4b:s1+s3], $0x80, v4, vm0, $0xb8;
	[tilespmem:$0xA180] =	vst v63  }
0x87: {  	v4 =	vld [tilespmem:s2+$0x0];
	_ =	sdelay $0x4  }
0x88: {  	v5 =	vshll.u32 v4, $0x1  }
0x89: {  	v4 =	vand.u32 $0x7, v4;
	v5 =	vand.u32 $0xFFFFFFF0, v5  }
0x8a: {  	v4 =	vor.u32 v4, v5  }
0x8b: {  	v5 =	vperm.xlane v4, v0;
	_ =	sdelay $0x1  }
0x8c: {  	v4 =	vperm.xlane v4, v3;
	v5 =	vadd.s32 v1, v5;
	_ =	sdelay $0x1  }
0x8d: {  	v4 =	vadd.s32 v1, v4  }
.Ltmp6:
0x8e: {  	_ = 	snop;
	(pc) =	sbr.rel .LBB2_6-.Ltmp6, $4  }
0x8f: {  	_ = 	snop  }
0x90: {  	[tilespmem:s28], [sflag:$0x2] =	stream.indirect_vreg.gather [hbm4b:s1+s3], $0x80, v5, vm0, $0xb8;
	[tilespmem:$0xA180] =	vst v63  }
0x91: {  	_ = 	snop  }
0x92: {  	[tilespmem:s29], [sflag:$0x2] =	stream.indirect_vreg.gather [hbm4b:s1+s3], $0x80, v4, vm0, $0xb8;
	[tilespmem:$0xA180] =	vst v63  }
.LBB2_4:
0x93: {  	_ =	sdelay $0x3  }
0x94: {  	[tilespmem:s8], [sflag:$0x1] =	stream.indirect_vreg.gather [hbm4b:s1+s3], $0x80, v5, vm0, $0xb8;
	[tilespmem:$0xA180] =	vst v63  }
0x95: {  	_ = 	snop  }
0x96: {  	[tilespmem:s9], [sflag:$0x1] =	stream.indirect_vreg.gather [hbm4b:s1+s3], $0x80, v4, vm0, $0xb8;
	[tilespmem:$0xA180] =	vst v63  }
0x97: {  	v4 =	vld [tilespmem:s2+$0xFFFFFFD0];
	_ =	sdelay $0x4  }
0x98: {  	v5 =	vshll.u32 v4, $0x1  }
0x99: {  	v4 =	vand.u32 $0x7, v4;
	v5 =	vand.u32 $0xFFFFFFF0, v5  }
0x9a: {  	v4 =	vor.u32 v4, v5  }
0x9b: {  	v5 =	vperm.xlane v4, v0;
	_ =	sdelay $0x1  }
0x9c: {  	v4 =	vperm.xlane v4, v3;
	v5 =	vadd.s32 v1, v5;
	_ =	sdelay $0x1  }
0x9d: {  	v4 =	vadd.s32 v1, v4;
	_ =	sdelay $0x2  }
0x9e: {  	[tilespmem:s10], [sflag:$0x1] =	stream.indirect_vreg.gather [hbm4b:s1+s3], $0x80, v5, vm0, $0xb8;
	[tilespmem:$0xA180] =	vst v63  }
0x9f: {  	_ = 	snop  }
0xa0: {  	[tilespmem:s11], [sflag:$0x1] =	stream.indirect_vreg.gather [hbm4b:s1+s3], $0x80, v4, vm0, $0xb8;
	[tilespmem:$0xA180] =	vst v63  }
0xa1: {  	v4 =	vld [tilespmem:s2+$0xFFFFFFE0];
	_ =	sdelay $0x4  }
0xa2: {  	v5 =	vshll.u32 v4, $0x1  }
0xa3: {  	v4 =	vand.u32 $0x7, v4;
	v5 =	vand.u32 $0xFFFFFFF0, v5  }
0xa4: {  	v4 =	vor.u32 v4, v5  }
0xa5: {  	v5 =	vperm.xlane v4, v0;
	_ =	sdelay $0x1  }
0xa6: {  	v4 =	vperm.xlane v4, v3;
	v5 =	vadd.s32 v1, v5;
	_ =	sdelay $0x1  }
0xa7: {  	v4 =	vadd.s32 v1, v4;
	_ =	sdelay $0x2  }
0xa8: {  	[tilespmem:s12], [sflag:$0x1] =	stream.indirect_vreg.gather [hbm4b:s1+s3], $0x80, v5, vm0, $0xb8;
	[tilespmem:$0xA180] =	vst v63  }
0xa9: {  	_ = 	snop  }
0xaa: {  	[tilespmem:s13], [sflag:$0x1] =	stream.indirect_vreg.gather [hbm4b:s1+s3], $0x80, v4, vm0, $0xb8;
	[tilespmem:$0xA180] =	vst v63  }
0xab: {  	v4 =	vld [tilespmem:s2+$0xFFFFFFF0];
	_ =	sdelay $0x4  }
0xac: {  	v5 =	vshll.u32 v4, $0x1  }
0xad: {  	v4 =	vand.u32 $0x7, v4;
	v5 =	vand.u32 $0xFFFFFFF0, v5  }
0xae: {  	v4 =	vor.u32 v4, v5  }
0xaf: {  	v5 =	vperm.xlane v4, v0;
	_ =	sdelay $0x1  }
0xb0: {  	v4 =	vperm.xlane v4, v3;
	v5 =	vadd.s32 v1, v5;
	_ =	sdelay $0x1  }
0xb1: {  	v4 =	vadd.s32 v1, v4;
	_ =	sdelay $0x2  }
0xb2: {  	[tilespmem:s14], [sflag:$0x1] =	stream.indirect_vreg.gather [hbm4b:s1+s3], $0x80, v5, vm0, $0xb8;
	[tilespmem:$0xA180] =	vst v63  }
0xb3: {  	_ = 	snop  }
0xb4: {  	[tilespmem:s15], [sflag:$0x1] =	stream.indirect_vreg.gather [hbm4b:s1+s3], $0x80, v4, vm0, $0xb8;
	[tilespmem:$0xA180] =	vst v63  }
0xb5: {  	v4 =	vld [tilespmem:s2+$0x0];
	_ =	sdelay $0x4  }
0xb6: {  	v5 =	vshll.u32 v4, $0x1  }
0xb7: {  	v4 =	vand.u32 $0x7, v4;
	v5 =	vand.u32 $0xFFFFFFF0, v5  }
0xb8: {  	v4 =	vor.u32 v4, v5  }
0xb9: {  	v5 =	vperm.xlane v4, v0;
	_ =	sdelay $0x1  }
0xba: {  	v4 =	vperm.xlane v4, v3;
	v5 =	vadd.s32 v1, v5;
	_ =	sdelay $0x1  }
0xbb: {  	v4 =	vadd.s32 v1, v4;
	_ =	sdelay $0x2  }
0xbc: {  	[tilespmem:s16], [sflag:$0x1] =	stream.indirect_vreg.gather [hbm4b:s1+s3], $0x80, v5, vm0, $0xb8;
	[tilespmem:$0xA180] =	vst v63  }
0xbd: {  	_ = 	snop  }
0xbe: {  	[tilespmem:s17], [sflag:$0x1] =	stream.indirect_vreg.gather [hbm4b:s1+s3], $0x80, v4, vm0, $0xb8;
	[tilespmem:$0xA180] =	vst v63  }
.LBB2_6:
0xbf: {  	s0 =	sand.u32 $0x1, s4  }
0xc0: {  	p0 =	seq.s32 s0, $0x1  }
.Ltmp7:
0xc1: {  	_ = 	snop;
	(pc) =	sbr.rel @p0 .LBB2_8-.Ltmp7, $1  }
0xc2: {  	_ =	sdelay $0x3  }
.Ltmp8:
0xc3: {  	(pc) =	sbr.rel .LBB2_9-.Ltmp8, $4  }
0xc4: {  	_ =	swait.ge [sflag:s30], $0x5000  }
0xc5: {  	[sflag:s30] =	ssyncset.done $0x0  }
0xc6: {  	s4 =	simm.s32 $0x4;
	[sflag:s30] =	ssyncadd.s32 $0xFFFFB000  }
0xc7: {  	[hbm4b:s6+s3] =	stream.linear.scatter [tilespmem:s8], [sflag:$0x4], $0x5000, $0x38;
	[tilespmem:$0xA180] =	vst v63  }
.LBB2_11:
0xc8: {  	_ =	sfence.sel $0x180000  }
0xc9: {  	[bflag:$0x0] =	sbarrier.arrive $0xFFFF  }
0xca: {  	_ =	strace $0x9000004A  }
0xcb: {  	s0 =	stileid.u32;
	[bflag:$0x2] =	sbarrier.arrive $0xFFFF  }
0xcc: {  	p0 =	sne.s32 s0, $0x0;
	s0 =	rddreg [dreg:$0x3]  }
0xcd: {  	s0 =	sadd.s32 @!p0 $0x100000, s0  }
0xce: {  	[sflag:s0] =	ssyncadd.tile.s32 @!p0 $0x1;
	_ =	shalt  }
.Lfunc_end2:
_tile_overlayer_lowered:
.L_overlay_start_2:
0xcf: {  	(tag) =	ssettag $0x2  }
0xd0: {  	s0 =	rddreg [dreg:$0x0];
	s2 =	stileid.u32  }
0xd1: {  	s1 =	rddreg [dreg:$0x1];
	p0 =	sne.s32 s2, $0x0  }
0xd2: {  	s3 =	rddreg [dreg:$0x2];
	[bflag:$0x3] =	sbarrier.arrive $0xFFFF;
	s2 =	simm.s32 @!p0 $0x1C03  }
0xd3: {  	[timem:s3], [sflag:s2] =	dma.local @!p0 [hbm:s0], s1  }
0xd4: {  	s0 =	simm.s32 @!p0 $0x3  }
0xd5: {  	_ =	swait.ge @!p0 [sflag:s0], s1  }
0xd6: {  	s1 =	ssub.s32 @!p0 $0x0, s1;
	[sflag:s0] =	ssyncset.done @!p0 $0x0  }
0xd7: {  	[sflag:s0] =	ssyncadd.s32 @!p0 s1  }
0xd8: {  	[bflag:$0x3] =	sbarrier.arrive $0xFFFF  }
0xd9: {  	_ =	shalt  }

// kernel: scatter_offload_async_start
scs
__scs_entry_jumppad:
0x0: {  	(pc) =	sbr.rel $0x88, $3  }
0x1: {  	(tag) =	ssettag $0x0;
	lr =	simm.s32 $0x1  }
0x2: {  	[smem:$0x3F8F] =	sst lr;
	_ =	strace $0xD0000000  }
0x3: {  	_ = 	snop  }
0x4: {  	_ = 	snop  }
0x5: {  	_ = 	snop  }
0x6: {  	_ = 	snop  }
0x7: {  	_ = 	snop  }
__scs_overlays_trampoline_lowered:
0x8: {  	[smem:$0x3F9E] =	sst s0  }
0x9: {  	[smem:$0x3F9F] =	sst s1  }
0xa: {  	[smem:$0x3FA0] =	sst s2  }
0xb: {  	[smem:$0x3FA1] =	sst s3  }
0xc: {  	[smem:$0x3FA2] =	sst s4  }
0xd: {  	[smem:$0x3FA3] =	sst s5  }
0xe: {  	[smem:$0x3FA4] =	sst s6  }
0xf: {  	[smem:$0x3FA5] =	sst s7  }
0x10: {  	[smem:$0x3FA6] =	sst s8  }
0x11: {  	[smem:$0x3FA7] =	sst s9;
	s0 =	simm.s32 @!p0 $0x0  }
0x12: {  	s1 =	sld [smem:$0x3F8D];
	s0 =	simm.s32 @p0 $0x1  }
0x13: {  	[smem:$0x3FA8] =	sst s0;
	s0 =	simm.s32 @!p1 $0x0  }
0x14: {  	s2 =	sld [smem:$0x3F8C];
	s0 =	simm.s32 @p1 $0x1  }
0x15: {  	[smem:$0x3FA9] =	sst s0;
	s0 =	simm.s32 @!p2 $0x0  }
0x16: {  	s3 =	sld [smem:$0x3FDB];
	s0 =	simm.s32 @p2 $0x1  }
0x17: {  	s4 =	simm.s32 $0x1BF5;
	[smem:$0x3FAB] =	sst s0  }
0x18: {  	s0 =	sld [smem:$0x3F8E];
	_ =	swait.ge [sflag:s4], $0x0  }
0x19: {  	s7 =	sld [smem:$0x3F8F]  }
0x1a: {  	s8 =	sadd.s32 $0xFFFFE003, lr  }
0x1b: {  	s9 =	sadd.s32 $0xFFFFFEF7, lr;
	s5 =	simm.s32 $0xFFFFFFFF;
	p2 =	slt.u32 s8, $0xFFFFF086  }
0x1c: {  	p1 =	slt.u32 s9, $0xF7A;
	s5 =	simm.s32 @!p2 $0x0  }
0x1d: {  	s5 =	simm.s32 @p1 $0x1;
	p0 =	seq.s32 s7, s2  }
0x1e: {  	s7 =	smul.u32 @!p0 $0xF7A, s2;
	p2 =	seq.s32 @!p0 s5, $0x0  }
0x1f: {  	s9 =	smul.u32 $0xF7A, s1;
	s8 =	simm.s32 @!p0 $0x1BF5;
	p2 =	por !p2, p0  }
0x20: {  	[sflag:s8] =	ssyncset.s32 @!p0 $0xFFFFF086;
	s6 =	sadd.s32 @!p0 s3, s7;
	s7 =	simm.s32 @!p0 $0x108  }
0x21: {  	s3 =	sadd.s32 s3, s9;
	s6 =	sadd.s32 @!p0 $0x88, s6;
	s7 =	simm.s32 @p2 $0x1082  }
0x22: {  	[simem:s7], [sflag:s8] =	dma.local @!p0 [hbm:s6], $0xF7A  }
0x23: {  	s9 =	sor.u32 $0xD0000000, s2;
	s6 =	simm.s32 $0x108;
	_ =	swait.ge @!p0 [sflag:s8], $0x0  }
0x24: {  	s3 =	sadd.s32 $0x88, s3;
	s6 =	simm.s32 @!p1 $0x1082;
	[sflag:s4] =	ssyncset.s32 $0xFFFFF086  }
0x25: {  	[simem:s6], [sflag:s4] =	dma.local [hbm:s3], $0xF7A  }
0x26: {  	[smem:$0x3F8F] =	sst s1;
	(tag) =	ssettag s2;
	_ =	strace s9  }
0x27: {  	s1 =	sld [smem:$0x3F9F]  }
0x28: {  	s2 =	sld [smem:$0x3FA0]  }
0x29: {  	s4 =	sld [smem:$0x3FA2]  }
0x2a: {  	p0 =	seq.s32 s5, $0x0;
	s5 =	sld [smem:$0x3FA3]  }
0x2b: {  	s6 =	sld [smem:$0x3FA4]  }
0x2c: {  	s7 =	sld [smem:$0x3FA5]  }
0x2d: {  	s3 =	simm.s32 $0x108;
	s8 =	sld [smem:$0x3FA6]  }
0x2e: {  	s3 =	simm.s32 @!p0 $0x1082;
	s9 =	sld [smem:$0x3FA7]  }
0x2f: {  	lr =	sadd.s32 s0, s3;
	s0 =	sld [smem:$0x3F9E]  }
0x30: {  	s3 =	sld [smem:$0x3FA1]  }
0x31: {  	[smem:$0x3FAA] =	sst s10  }
0x32: {  	s10 =	sld [smem:$0x3FA8];
	_ =	sdelay $0x3  }
0x33: {  	p0 =	seq.s32 s10, $0x1;
	s10 =	sld [smem:$0x3FAA];
	_ =	sdelay $0x3  }
0x34: {  	[smem:$0x3FAA] =	sst s10  }
0x35: {  	s10 =	sld [smem:$0x3FA9];
	_ =	sdelay $0x3  }
0x36: {  	p1 =	seq.s32 s10, $0x1;
	s10 =	sld [smem:$0x3FAA];
	_ =	sdelay $0x3  }
0x37: {  	[smem:$0x3FAA] =	sst s10  }
0x38: {  	s10 =	sld [smem:$0x3FAB]  }
0x39: {  	_ = 	snop;
	(pc) =	sbr.ind lr, $3  }
0x3a: {  	_ = 	snop  }
0x3b: {  	_ = 	snop  }
0x3c: {  	p2 =	seq.s32 s10, $0x1;
	s10 =	sld [smem:$0x3FAA]  }
0x3d: {  	_ =	shalt  }
0x3e: {  	_ =	shalt  }
0x3f: {  	_ =	shalt  }
0x40: {  	_ =	shalt  }
0x41: {  	_ =	shalt  }
0x42: {  	_ =	shalt  }
0x43: {  	_ =	shalt  }
0x44: {  	_ =	shalt  }
0x45: {  	_ =	shalt  }
0x46: {  	_ =	shalt  }
0x47: {  	_ =	shalt  }
0x48: {  	_ =	shalt  }
0x49: {  	_ =	shalt  }
0x4a: {  	_ =	shalt  }
0x4b: {  	_ =	shalt  }
0x4c: {  	_ =	shalt  }
0x4d: {  	_ =	shalt  }
0x4e: {  	_ =	shalt  }
0x4f: {  	_ =	shalt  }
0x50: {  	_ =	shalt  }
0x51: {  	_ =	shalt  }
0x52: {  	_ =	shalt  }
0x53: {  	_ =	shalt  }
0x54: {  	_ =	shalt  }
0x55: {  	_ =	shalt  }
0x56: {  	_ =	shalt  }
0x57: {  	_ =	shalt  }
0x58: {  	_ =	shalt  }
0x59: {  	_ =	shalt  }
0x5a: {  	_ =	shalt  }
0x5b: {  	_ =	shalt  }
0x5c: {  	_ =	shalt  }
0x5d: {  	_ =	shalt  }
0x5e: {  	_ =	shalt  }
0x5f: {  	_ =	shalt  }
0x60: {  	_ =	shalt  }
0x61: {  	_ =	shalt  }
0x62: {  	_ =	shalt  }
0x63: {  	_ =	shalt  }
0x64: {  	_ =	shalt  }
0x65: {  	_ =	shalt  }
0x66: {  	_ =	shalt  }
0x67: {  	_ =	shalt  }
0x68: {  	_ =	shalt  }
0x69: {  	_ =	shalt  }
0x6a: {  	_ =	shalt  }
0x6b: {  	_ =	shalt  }
0x6c: {  	_ =	shalt  }
0x6d: {  	_ =	shalt  }
0x6e: {  	_ =	shalt  }
0x6f: {  	_ =	shalt  }
0x70: {  	_ =	shalt  }
0x71: {  	_ =	shalt  }
0x72: {  	_ =	shalt  }
0x73: {  	_ =	shalt  }
0x74: {  	_ =	shalt  }
0x75: {  	_ =	shalt  }
0x76: {  	_ =	shalt  }
0x77: {  	_ =	shalt  }
0x78: {  	_ =	shalt  }
0x79: {  	_ =	shalt  }
0x7a: {  	_ =	shalt  }
0x7b: {  	_ =	shalt  }
0x7c: {  	_ =	shalt  }
0x7d: {  	_ =	shalt  }
0x7e: {  	_ =	shalt  }
0x7f: {  	_ =	shalt  }
0x80: {  	_ =	shalt  }
0x81: {  	_ =	shalt  }
0x82: {  	_ =	shalt  }
0x83: {  	_ =	shalt  }
0x84: {  	_ =	shalt  }
0x85: {  	_ =	shalt  }
0x86: {  	_ =	shalt  }
0x87: {  	_ =	shalt  }
.Lfunc_end0:
.L_simem_size_0:
called_computation_lowered:
.L_overlay_start_0:
0x88: {  	s0 =	sld [smem:$0x3FD9]  }
0x89: {  	s1 =	sld [smem:$0x3FFE];
	_ =	sdelay $0x3  }
0x8a: {  	s0 =	sadd.s32 s1, s0  }
0x8b: {  	[smem:$0x3FB6] =	sst s0  }
0x8c: {  	_ = 	snop  }
0x8d: {  	(tm) =	ssettm $0x1  }
0x8e: {  	s15 =	sld [smem:$0x3FFB];
	_ =	sdelay $0x3  }
0x8f: {  	_ =	strace s15  }
0x90: {  	s0 =	sld [smem:$0x3FFC];
	_ =	sdelay $0x3  }
0x91: {  	_ =	strace s0  }
0x92: {  	s0 =	sld [smem:$0x3FFD];
	_ =	sdelay $0x3  }
0x93: {  	_ =	strace s0  }
0x94: {  	_ =	strace $0x8FFFFFFF  }
0x95: {  	s16 =	sld [smem:$0x3FDB];
	_ =	sdelay $0x1  }
0x96: {  	s17 =	simm.s32 $_scs_section_size  }
0x97: {  	s2 =	simm.s32 $_size__tile_overlayer_lowered;
	s3 =	simm.s32 $_tile_overlayer_lowered  }
0x98: {  	s20 =	simm.s32 $0x1BFF;
	s19 =	sshll.u32 s3, $0x1;
	s0 =	sadd.s32 s17, s16  }
0x99: {  	s4 =	simm.s32 $0x0;
	s18 =	sshll.u32 s2, $0x1;
	s2 =	sadd.s32 s19, s0  }
0x9a: {  	[timem:s4], [sflag:s20] =	dma.local [hbm:s2], s18  }
0x9b: {  	_ =	swait.ge [sflag:s20], s18  }
0x9c: {  	s1 =	ssub.s32 $0x0, s18;
	[sflag:s20] =	ssyncset.done $0x0  }
0x9d: {  	[sflag:s20] =	ssyncadd.s32 s1;
	_ =	sdelay $0x1  }
0x9e: {  	s21 =	simm.s32 $0x1B8B  }
0x9f: {  	_ =	swait.ge [sflag:s21], $0x1  }
0xa0: {  	[sflag:s21] =	ssyncset.done $0x0  }
0xa1: {  	s23 =	simm.s32 $0x1B8E;
	s22 =	sld [smem:$0x3FFE];
	[sflag:s21] =	ssyncadd.s32 $0xFFFFFFFF  }
0xa2: {  	s24 =	simm.s32 $execute0_lowered;
	[smem:$0x3FD2] =	sst s23  }
0xa3: {  	s2 =	sshll.u32 s24, $0x1;
	_ =	strace $0x80000046;
	[dreg:$0x1] =	wrdreg $0xFFFFFFFF  }
0xa4: {  	s25 =	simm.s32 $_size_execute0_lowered;
	s0 =	sadd.s32 s0, s2;
	[dreg:$0x0] =	wrdreg $0x0  }
0xa5: {  	s2 =	sshll.u32 s25, $0x1;
	[dreg:$0x2] =	wrdreg s0  }
0xa6: {  	[dreg:$0x3] =	wrdreg s2  }
0xa7: {  	[dreg:$0x4] =	wrdreg $0xC0  }
0xa8: {  	_ =	task [dreg:s4], $0x5FFFF  }
0xa9: {  	[dreg:$0x1] =	wrdreg $0xFFFFFFFF  }
0xaa: {  	[dreg:$0x0] =	wrdreg $0x60  }
0xab: {  	[dreg:$0x2] =	wrdreg s22  }
0xac: {  	[dreg:$0x3] =	wrdreg $0x9  }
0xad: {  	_ =	task.clear_ibuf [dreg:s4], $0x4FFFF;
	_ =	strace $0x90000046  }
0xae: {  	s26 =	simm.s32 $0x9;
	_ =	strace $0x80000048  }
0xaf: {  	_ =	swait.ge [sflag:s26], $0x1  }
0xb0: {  	[sflag:s26] =	ssyncadd.s32 $0xFFFFFFFF  }
0xb1: {  	_ =	strace $0x90000048  }
0xb2: {  	_ =	sfence  }
0xb3: {  	s28 =	sld [smem:$0x0];
	_ =	sdelay $0x1  }
0xb4: {  	s29 =	srdreg.scid  }
0xb5: {  	s30 =	sshll.u32 s29, $0xD;
	s31 =	sshrl.u32 s29, $0x2  }
0xb6: {  	s1 =	sand.u32 $0x1, s29;
	s2 =	sand.u32 $0x4000, s30;
	s0 =	sadd.s32 s31, s28  }
0xb7: {  	s1 =	sor.u32 s2, s1;
	s0 =	sshll.u32 s0, $0x11  }
0xb8: {  	s0 =	sor.u32 s0, s1  }
0xb9: {  	s0 =	sadd.s32 $0x8F2B, s0  }
0xba: {  	[sflag:s0] =	ssyncadd.remote.s32 $0x1  }
0xbb: {  	_ =	sfence.sel $0xFFFF  }
0xbc: {  	[dreg:$0x0] =	wrdreg $0xFFFFFFFF;
	(pc) =	sbr.abs _section_cstart, $3  }
0xbd: {  	[dreg:$0x1] =	wrdreg $0xFFFFFFFF  }
0xbe: {  	_ =	task.clear_ibuf [dreg:s4], $0x2FFFF;
	_ =	strace $0x9FFFFFFF  }
0xbf: {  	(tm) =	ssettm $0x7FFFFFFF  }
tec
execute0_lowered:
.L_overlay_start_1:
0x0: {  	(tag) =	ssettag $0x1  }
0x1: {  	s0 =	rddreg [dreg:$0x0];
	_ =	strace $0x80000047;
	s3 =	simm.s32 $0x1  }
0x2: {  	v1 =	vimm.s32 $0xFFFFFFFF;
	[sflag:s3] =	ssyncpa.u1 $0x0  }
0x3: {  	[tilespmem:$0x10] =	vst v1  }
0x4: {  	v0 =	vimm.f32 $0.0e+00;
	[tilespmem:$0x20] =	vst v1  }
0x5: {  	[tilespmem:$0x30] =	vst v0  }
0x6: {  	s2 =	simm.s32 $0x2;
	s26 =	stileid.u32;
	s5 =	simm.s32 $0x7;
	[tilespmem:$0x40] =	vst v0  }
0x7: {  	s7 =	simm.s32 $0x8;
	s31 =	simm.s32 $0x9;
	s14 =	simm.s32 $0x0;
	[tilespmem:$0x50] =	vst v0  }
0x8: {  	s15 =	simm.s32 $0x100;
	s18 =	simm.s32 $0x10;
	s19 =	simm.s32 $0x1780;
	[tilespmem:$0x60] =	vst v1  }
0x9: {  	s20 =	simm.s32 $0xF;
	s21 =	simm.s32 $0x50;
	s22 =	simm.s32 $0xAFF;
	[tilespmem:$0x70] =	vst v1  }
0xa: {  	s23 =	simm.s32 $0x20;
	s24 =	simm.s32 $0x30;
	s25 =	simm.s32 $0x14FF;
	[tilespmem:$0x80] =	vst v1  }
0xb: {  	s30 =	simm.s32 $0x0;
	s29 =	simm.s32 $0x0;
	s6 =	smul.u32 $0x280, s26;
	v1 =	vimm.s32 $0x0;
	[tilespmem:$0xB0] =	vst v0  }
.Ltmp0:
0xc: {  	s1 =	sadd.s32 $0x50C00, s0;
	s4 =	sadd.s32 $0x50000, s0;
	[tilespmem:$0x90] =	vst v1;
	(pc) =	sbr.rel .LBB2_1-.Ltmp0, $4  }
0xd: {  	s8 =	sadd.s32 $0x50600, s0;
	s10 =	sshll.u32 s26, $0x1;
	[tilespmem:$0xA0] =	vst v1;
	[sflag:s2] =	ssyncpa.u1 $0x0  }
0xe: {  	s12 =	sshllo.u32 s26, $0x1;
	s26 =	simm.s32 $0x80;
	[sflag:s5] =	ssyncpa.u1 $0x0  }
0xf: {  	vm0 =	vmmov $0xffff;
	v2 =	vlaneseq.u32;
	s11 =	sor.u32 $0x81, s10;
	s13 =	sor.u32 $0x80, s10;
	[sflag:s7] =	ssyncpa.u1 $0x0  }
0x10: {  	vm1 =	vmxor vm1, vm1;
	vm2 =	vmmov $0x1;
	vm3 =	vcmask $0x3F3C;
	s9 =	sadd.s32 $0x280, s6;
	s28 =	smov.u32 s6;
	[sflag:s31] =	ssyncpa.u1 $0x0  }
.LBB2_3:
0x11: {  	s0 =	sshrl.u32 s28, $0x3  }
0x12: {  	s2 =	sand.u32 $0x7, s28;
	s0 =	sadd.s32 s4, s0  }
0x13: {  	[tilespmem:s15], [sflag:$0x7] =	stream.linear.gather [hbm4b:s0+s2], $0x280, $0x38;
	[tilespmem:$0x17A0] =	vst v63  }
.LBB2_4:
0x14: {  	s0 =	sadd.s32 $0x280, s28  }
0x15: {  	s2 =	smov.u32 s6;
	s29 =	sadd.s32 $0x1, s29;
	p0 =	slt.s32 s0, s9  }
0x16: {  	s2 =	smov.u32 @p0 s0;
	p0 =	sne.s32 s29, $0x4  }
.Ltmp1:
0x17: {  	_ = 	snop;
	(pc) =	sbr.rel @!p0 .LBB2_13-.Ltmp1, $2  }
0x18: {  	_ =	sdelay $0x2  }
0x19: {  	s30 =	smov.u32 s28;
	s28 =	smov.u32 s2  }
.LBB2_1:
0x1a: {  	p0 =	sgt.s32 s29, $0x1  }
.Ltmp2:
0x1b: {  	_ = 	snop;
	(pc) =	sbr.rel @p0 .LBB2_11-.Ltmp2, $1  }
0x1c: {  	_ =	sdelay $0x3  }
0x1d: {  	p0 =	seq.s32 s29, $0x0  }
.Ltmp3:
0x1e: {  	_ = 	snop;
	(pc) =	sbr.rel @p0 .LBB2_3-.Ltmp3, $1  }
0x1f: {  	_ =	sdelay $0x3  }
0x20: {  	_ =	swait.ge [sflag:s5], $0x280  }
0x21: {  	[sflag:s5] =	ssyncset.done $0x0  }
0x22: {  	[sflag:s5] =	ssyncadd.s32 $0xFFFFFD80;
	(ifvalue) =	ssetifvalue $0xFFFFFFFF;
	v3 =	vld.msk [tilespmem:s15+$0x0 ss:$0x1], $0xffff;
	_ =	sdelay $0x4  }
0x23: {  	v4 =	vperm.xlane v3, v1  }
0x24: {  	vm4 =	vlt.u32 v3, $0x2000  }
0x25: {  	v3 =	vnsel vm4, $0xFFFFFFFE, v3;
	vm4 =	vlt.u32 v4, $0x2000  }
0x26: {  	[tilespmem:$0x70] =	vst v3;
	v3 =	vnsel vm4, $0xFFFFFFFE, v4  }
0x27: {  	s17 =	simm.s32 $0x370;
	[tilespmem:$0x80] =	vst v3  }
0x28: {  	v3 =	vld.msk [tilespmem:s17+$0x0 ss:$0x1], $0xffff;
	_ =	sdelay $0x4  }
0x29: {  	(xrf1) =	vunique.msk.u32 $0xffff, v3;
	_ =	sdelay $0xd  }
0x2a: {  	v4 =	vimm.s32 $0xFFFFFFFF;
	v5, _, _ =	vpop (xrf1)  }
0x2b: {  	vm5 =	vne.s32 v3, v4;
	vm4 =	veq.s32 v5, v2  }
0x2c: {  	vm6 =	vlt.u32 v3, $0x2000;
	vm4 =	vmand vm5, vm4  }
0x2d: {  	vm4 =	vmand vm6, vm4  }
0x2e: {  	v4 =	vnsel vm4, $0xFFFFFFFF, v3;
	_ =	sdelay $0x3  }
0x2f: {  	s0 =	simm.s32 $0xAF0;
	(ifvalue) =	ssetifvalue $0xFFFFFFFF  }
0x30: {  	v3 =	vperm.xlane v3, v1;
	[tilespmem:s0], [sflag:$0x8] =	stream.indirect_vreg.gather [hbm4b:s1+s14], $0x1, v4, vm0, $0x4038;
	v4 =	vnsel vm6, $0xFFFFFFFE, v4;
	[tilespmem:$0x17A0] =	vst v63  }
0x31: {  	s2 =	simm.s32 $0x0;
	s16 =	simm.s32 $0x360;
	[tilespmem:s17+$0x0] =	vst v4  }
.LBB2_6:
0x32: {  	v4 =	vld.msk [tilespmem:s16+$0x0 ss:$0x1], $0xffff;
	s2 =	sadd.s32 $0x10, s2;
	v5 =	vmov v3;
	s17 =	smov.u32 s16  }
0x33: {  	p0 =	slt.u32 s2, $0x270;
	_ =	sdelay $0x4  }
0x34: {  	v3 =	vperm.xlane v4, v1;
	(xrf1) =	vunique.msk.u32 $0xffff, v4;
	_ =	sdelay $0xd  }
0x35: {  	v6, _, _ =	vpop (xrf1)  }
0x36: {  	vm5 =	vne.s32 v4, v5;
	vm4 =	veq.s32 v6, v2  }
0x37: {  	vm6 =	vlt.u32 v4, $0x2000;
	vm4 =	vmand vm5, vm4  }
0x38: {  	vm4 =	vmand vm6, vm4  }
0x39: {  	v4 =	vnsel vm4, $0xFFFFFFFF, v4  }
.Ltmp4:
0x3a: {  	v5 =	vnsel vm6, $0xFFFFFFFE, v4;
	(pc) =	sbr.rel @p0 .LBB2_6-.Ltmp4, $3  }
0x3b: {  	_ =	sdelay $0x1  }
0x3c: {  	s16 =	sadd.s32 $0xFFFFFFF0, s16;
	s0 =	sadd.s32 $0xFFFFFFF0, s0;
	(ifvalue) =	ssetifvalue $0xFFFFFFFF  }
0x3d: {  	[tilespmem:s0], [sflag:$0x8] =	stream.indirect_vreg.gather [hbm4b:s1+s14], $0x1, v4, vm0, $0x4038;
	[tilespmem:s17+$0x0] =	vst v5  }
.Ltmp5:
0x3e: {  	(pc) =	sbr.rel .LBB2_4-.Ltmp5, $4  }
0x3f: {  	_ = 	snop  }
0x40: {  	s0 =	sshrl.u32 s30, $0x3  }
0x41: {  	s2 =	simm.s32 $0xD80;
	s0 =	sadd.s32 s8, s0  }
0x42: {  	[tilespmem:s2], [sflag:$0x8] =	stream.linear.gather [hbm:s0], $0x280, $0x38;
	[tilespmem:$0x17A0] =	vst v63  }
.LBB2_11:
0x43: {  	p0 =	seq.s32 s29, $0x2  }
.Ltmp6:
0x44: {  	_ = 	snop;
	(pc) =	sbr.rel @!p0 .LBB2_12-.Ltmp6, $1  }
0x45: {  	_ =	sdelay $0x3  }
0x46: {  	_ =	swait.ge [sflag:s7], $0x500  }
0x47: {  	[sflag:s7] =	ssyncset.done $0x0  }
0x48: {  	s0 =	simm.s32 $0x37F;
	[sflag:s7] =	ssyncadd.s32 $0xFFFFFB00  }
0x49: {  	[spmem:s11] =	stream.linear.scatter [tilespmem:s0], [sflag:$0x1], $0x1, $0x38;
	[tilespmem:$0x17A0] =	vst v63  }
0x4a: {  	_ =	swait.ge [sflag:s3], $0x1  }
0x4b: {  	[sflag:s3] =	ssyncset.done $0x0  }
0x4c: {  	[sflag:s3] =	ssyncadd.s32 $0xFFFFFFFF  }
0x4d: {  	v4 =	vld [tilespmem:$0x10]  }
0x4e: {  	v5 =	vld [tilespmem:$0x70]  }
0x4f: {  	v3 =	vld [tilespmem:$0x80];
	_ =	sdelay $0x2  }
0x50: {  	(v2sf) =	vpush v4, $0x0  }
0x51: {  	(v2sf) =	vpush v5, $0x0  }
0x52: {  	(v2sf) =	vpush v3, $0x0;
	_ =	sdelay $0xc  }
0x53: {  	s16 =	spop (v2sf)  }
0x54: {  	s2 =	spop (v2sf)  }
0x55: {  	s30 =	spop (v2sf)  }
0x56: {  	p0 =	seq.s32 s16, s2;
	p1 =	seq.s32 s30, s16  }
0x57: {  	p1 =	por p0, p1  }
0x58: {  	v4 =	vpsel p1, $0xFFFFFFFF, v4  }
0x59: {  	[tilespmem:s18+$0x0] =	vst.msk $0x1, v4  }
0x5a: {  	v4 =	vld [tilespmem:$0x30]  }
0x5b: {  	v5 =	vld [tilespmem:$0xD80]  }
0x5c: {  	v6 =	vld [tilespmem:$0x40];
	_ =	sdelay $0x3  }
0x5d: {  	vm4 =	vmmov vm1;
	v5 =	vadd.f32 v5, v4  }
0x5e: {  	vm5 =	vmmov vm2;
	s31 =	simm.s32 $0xD80;
	vm4 =	vmmov @p0 vm2;
	v4 =	vadd.f32 v6, v4  }
0x5f: {  	vm5 =	vmmov @p1 vm1;
	[tilespmem:s31+$0x0] =	vst.msk vm4, v5  }
0x60: {  	[tilespmem:s19+$0x0] =	vst.msk vm5, v4  }
0x61: {  	v4 =	vld [tilespmem:$0xAF0];
	_ =	sdelay $0x3  }
0x62: {  	v5 =	vimm.f32 $0.0e+00  }
0x63: {  	v4 =	vshift.insert v4, v5, s20;
	_ =	sdelay $0x1  }
0x64: {  	[tilespmem:s21+$0x0] =	vst.msk $0x1, v4  }
0x65: {  	[tilespmem:s22+$0x0] =	vst.msk $0x1, v5  }
0x66: {  	v4 =	vld [tilespmem:$0x370];
	_ =	sdelay $0x4  }
0x67: {  	v4 =	vshift.insert v4, v1, s20;
	_ =	sdelay $0x1  }
0x68: {  	[tilespmem:s23+$0x0] =	vst.msk $0x1, v4  }
0x69: {  	s17 =	simm.s32 $0x100;
	v6 =	vld [tilespmem:s31+$0x0]  }
0x6a: {  	v7 =	vld [tilespmem:s17+$0x0];
	_ =	sdelay $0x3  }
0x6b: {  	v5 =	vadd.f32 v6, v5  }
0x6c: {  	vm4 =	vne.s32 v7, $0xFFFFFFFF  }
0x6d: {  	(xrf2) =	vadd.seg.scan.f32 vm4, v5;
	_ =	sdelay $0x3  }
0x6e: {  	s0 =	simm.s32 $0x880;
	v5 =	vperm.xlane v4, v1  }
0x6f: {  	v6 =	vld [tilespmem:s0+$0x0]  }
0x70: {  	vm5 =	veq.s32 v7, v3;
	vm6 =	veq.s32 v7, v5  }
0x71: {  	vm7 =	vgt.u32 v7, $0xFFFFFFFD;
	vm6 =	vmor vm6, vm5  }
0x72: {  	vm6 =	vmor vm6, vm7  }
0x73: {  	v9 =	vld [tilespmem:$0xA0];
	v7 =	vsel vm6, $0xFFFFFFFF, v7  }
0x74: {  	v10 =	vld [tilespmem:$0x90];
	v6 =	vsel vm5, $0x0, v6;
	v8, _, _ =	vpop (xrf2)  }
0x75: {  	v6 =	vadd.f32 v8, v6  }
0x76: {  	s2 =	simm.s32 $0x1280  }
0x77: {  	vm4 =	vmand vm4, vm3;
	[tilespmem:s2+$0x0] =	vst v6;
	(ifvalue) =	ssetifvalue $0xFFFFFFFF  }
0x78: {  	vm6 =	veq.s32 v9, $0x1;
	[hbm4b:s1+s14] =	stream.indirect_vreg.scatter [tilespmem:s2], [sflag:$0x2], $0x1, v7, vm0, $0x4038;
	v7 =	vsel vm4, $0x0, v8;
	[tilespmem:$0x17A0] =	vst v63  }
0x79: {  	s16 =	simm.s32 $0x0;
	s17 =	simm.s32 $0x110;
	vm4 =	vmor vm6, vm5;
	v6 =	vsel vm5, v8, v10;
	v7 =	vshift.insert v7, v0, s20  }
.LBB2_9:
0x7a: {  	v8 =	vld [tilespmem:s17+$0x0];
	s31 =	sadd.s32 $0x10, s31  }
0x7b: {  	s0 =	sadd.s32 $0x10, s0;
	v9 =	vld [tilespmem:s31+$0x0]  }
0x7c: {  	s16 =	sadd.s32 $0x10, s16;
	v10 =	vld [tilespmem:s0+$0x0]  }
0x7d: {  	p0 =	slt.u32 s16, $0x270;
	_ =	sdelay $0x2  }
0x7e: {  	v7 =	vadd.f32 v9, v7  }
0x7f: {  	vm5 =	vne.s32 v8, $0xFFFFFFFF  }
0x80: {  	vm6 =	vmand vm5, vm3;
	(xrf2) =	vadd.seg.scan.f32 vm5, v7;
	_ =	sdelay $0x5  }
0x81: {  	vm7 =	veq.s32 v8, v5;
	vm5 =	veq.s32 v8, v3  }
0x82: {  	vm8 =	vgt.u32 v8, $0xFFFFFFFD;
	vm4 =	vmor vm4, vm5;
	vm7 =	vmor vm7, vm5  }
0x83: {  	vm7 =	vmor vm7, vm8  }
0x84: {  	v8 =	vsel vm7, $0xFFFFFFFF, v8  }
.Ltmp7:
0x85: {  	v7 =	vsel vm5, $0x0, v10;
	v9, _, _ =	vpop (xrf2);
	(pc) =	sbr.rel @p0 .LBB2_9-.Ltmp7, $4  }
0x86: {  	v6 =	vsel vm5, v9, v6;
	v10 =	vadd.f32 v9, v7;
	v7 =	vsel vm6, $0x0, v9  }
0x87: {  	s2 =	sadd.s32 $0x10, s2;
	v7 =	vshift.insert v7, v0, s20  }
0x88: {  	s17 =	sadd.s32 $0x10, s17;
	[tilespmem:s2+$0x0] =	vst v10;
	(ifvalue) =	ssetifvalue $0xFFFFFFFF  }
0x89: {  	[hbm4b:s1+s14] =	stream.indirect_vreg.scatter [tilespmem:s2], [sflag:$0x2], $0x1, v8, vm0, $0x4038;
	[tilespmem:$0x17A0] =	vst v63  }
0x8a: {  	v3 =	vld [tilespmem:$0x14F0];
	_ =	sdelay $0x4  }
0x8b: {  	v3 =	vshift.insert v3, v0, s20;
	_ =	sdelay $0x1  }
0x8c: {  	[tilespmem:s24+$0x0] =	vst.msk $0x1, v3  }
0x8d: {  	v3 =	vsel vm4, $0x1, v1;
	[tilespmem:$0x90] =	vst v6  }
0x8e: {  	[tilespmem:$0xA0] =	vst v3  }
0x8f: {  	[spmem:s12] =	stream.linear.scatter [tilespmem:s25], [sflag:$0x1], $0x1, $0x38;
	[tilespmem:$0x17A0] =	vst v63  }
0x90: {  	v3 =	vmctz.xlane vm4;
	_ =	swait.ge [sflag:s3], $0x1  }
0x91: {  	(v2sf) =	vpush v4, $0x0  }
0x92: {  	(v2sf) =	vpush v3, $0x0;
	_ =	sdelay $0xd  }
0x93: {  	s0 =	spop (v2sf)  }
0x94: {  	s2 =	spop (v2sf)  }
0x95: {  	[sflag:s3] =	ssyncset.done $0x0;
	p0 =	sne.s32 s30, s0;
	p1 =	slt.s32 s2, $0xF  }
0x96: {  	[sflag:s3] =	ssyncadd.s32 $0xFFFFFFFF;
	v3 =	vimm.s32 @!p0 $0xFFFFFFFF;
	s2 =	simm.s32 @!p1 $0xF  }
0x97: {  	[tilespmem:$0x80] =	vst @!p0 v3;
	s31 =	sadd.s32 $0x90, s2  }
0x98: {  	[spmem:s10] =	stream.linear.scatter [tilespmem:s31], [sflag:$0x1], $0x1, $0x38;
	[tilespmem:$0x17A0] =	vst v63  }
0x99: {  	_ =	swait.ge [sflag:s3], $0x1  }
0x9a: {  	[sflag:s3] =	ssyncset.done $0x0  }
0x9b: {  	[sflag:s3] =	ssyncadd.s32 $0xFFFFFFFF  }
0x9c: {  	[spmem:s13] =	stream.linear.scatter [tilespmem:s26], [sflag:$0x1], $0x1, $0x38;
	[tilespmem:$0x17A0] =	vst v63  }
0x9d: {  	_ =	swait.ge [sflag:s3], $0x1  }
0x9e: {  	[sflag:s3] =	ssyncset.done $0x0  }
0x9f: {  	[sflag:s3] =	ssyncadd.s32 $0xFFFFFFFF;
	(ifvalue) =	ssetifvalue $0xFFFFFFFF;
	v3 =	vld [tilespmem:$0x10];
	_ =	sdelay $0x3  }
.Ltmp8:
0xa0: {  	_ = 	snop;
	(pc) =	sbr.rel .LBB2_4-.Ltmp8, $3  }
0xa1: {  	_ =	sdelay $0x1  }
0xa2: {  	(ifvalue) =	ssetifvalue $0xFFFFFFFF  }
0xa3: {  	[hbm4b:s1+s14] =	stream.indirect_vreg.scatter [tilespmem:s19], [sflag:$0x9], $0x1, v3, vm0, $0x4038;
	[tilespmem:$0x17A0] =	vst v63  }
.LBB2_12:
0xa4: {  	s0 =	simm.s32 $0x2  }
0xa5: {  	_ =	swait.ge [sflag:s0], $0x280  }
0xa6: {  	[sflag:s0] =	ssyncset.done $0x0  }
0xa7: {  	s31 =	simm.s32 $0x9;
	[sflag:s0] =	ssyncadd.s32 $0xFFFFFD80  }
0xa8: {  	_ =	swait.ge [sflag:s31], $0x10  }
0xa9: {  	[sflag:s31] =	ssyncset.done $0x0  }
0xaa: {  	[sflag:s31] =	ssyncadd.s32 $0xFFFFFFF0  }
.LBB2_13:
0xab: {  	_ =	sfence.sel $0x180000  }
0xac: {  	s0 =	simm.s32 $0x7;
	[bflag:$0x0] =	sbarrier.arrive $0xFFFF  }
0xad: {  	s26 =	simm.s32 $0x8;
	[sflag:s0] =	ssyncpa.u1 $0x1  }
0xae: {  	s28 =	simm.s32 $0x9;
	[sflag:s26] =	ssyncpa.u1 $0x1  }
0xaf: {  	[sflag:s28] =	ssyncpa.u1 $0x1  }
0xb0: {  	_ =	sfence.stream.spmem  }
0xb1: {  	s29 =	simm.s32 $0x3;
	[bflag:$0x0] =	sbarrier.arrive $0xFFFF  }
0xb2: {  	s30 =	simm.s32 $0x4;
	[sflag:s29] =	ssyncpa.u1 $0x1  }
0xb3: {  	s31 =	simm.s32 $0x3C;
	s2 =	stileid.u32;
	[sflag:s30] =	ssyncpa.u1 $0x1  }
0xb4: {  	p0 =	sne.s32 s2, $0x0;
	[sflag:s31] =	ssyncpa.u1 $0x1  }
0xb5: {  	s0 =	simm.s32 @p0 $0x1;
	_ =	sfence @p0  }
0xb6: {  	[sflag:s0] =	ssyncpa.u1 @p0 $0x1;
	s0 =	simm.s32 @p0 $0x2  }
0xb7: {  	[sflag:s0] =	ssyncpa.u1 @p0 $0x1  }
0xb8: {  	_ =	strace @p0 $0x90000047  }
0xb9: {  	[bflag:$0x2] =	sbarrier.arrive @p0 $0xFFFF  }
0xba: {  	_ =	shalt @p0  }
.LBB2_14:
0xbb: {  	_ =	sfence.stream.spmem;
	s0 =	simm.s32 $0x5  }
0xbc: {  	s2 =	simm.s32 $0x80;
	s3 =	simm.s32 $0xC0;
	[sflag:s0] =	ssyncpa.u1 $0x0  }
0xbd: {  	[tilespmem:s3], [sflag:$0x5] =	stream.linear.gather [spmem:s2], $0x20, $0x38;
	[tilespmem:$0x17A0] =	vst v63  }
0xbe: {  	s2 =	simm.s32 $0x0;
	s3 =	simm.s32 $0xE0  }
0xbf: {  	[tilespmem:s3], [sflag:$0x5] =	stream.linear.gather [spmem:s2], $0x20, $0x38;
	[tilespmem:$0x17A0] =	vst v63  }
.Ltmp9:
0xc0: {  	_ = 	snop;
	(pc) =	sbr.rel .LBB2_15-.Ltmp9, $4  }
0xc1: {  	_ =	swait.ge [sflag:s0], $0x40  }
0xc2: {  	[sflag:s0] =	ssyncset.done $0x0  }
0xc3: {  	s31 =	simm.s32 $0x6;
	[sflag:s0] =	ssyncadd.s32 $0xFFFFFFC0  }
0xc4: {  	s4 =	simm.s32 $0x0;
	[sflag:s31] =	ssyncpa.u1 $0x0  }
.LBB2_20:
0xc5: {  	p0 =	sgt.u32 s0, $0x1FFF  }
0xc6: {  	s5 =	sshrl.u32 @!p0 s0, $0x3  }
0xc7: {  	s0 =	sand.u32 @!p0 $0x7, s0;
	s6 =	simm.s32 @!p0 $0xB0;
	s5 =	sadd.s32 @!p0 s1, s5  }
0xc8: {  	[tilespmem:s6], [sflag:$0x6] =	stream.linear.gather @!p0 [hbm4b:s5+s0], $0x1, $0x38;
	[tilespmem:$0x17A0] =	vst v63  }
0xc9: {  	s0 =	simm.s32 @!p0 $0x6  }
0xca: {  	_ =	swait.ge @!p0 [sflag:s0], $0x1  }
0xcb: {  	[sflag:s0] =	ssyncset.done @!p0 $0x0  }
0xcc: {  	[sflag:s0] =	ssyncadd.s32 @!p0 $0xFFFFFFFF  }
0xcd: {  	v2 =	vmov @!p0 s4;
	v1 =	vld.msk @!p0 [tilespmem:$0xB0], $0x1;
	_ =	sdelay $0x3  }
0xce: {  	s0 =	simm.s32 @!p0 $0xE0  }
0xcf: {  	[tilespmem:v2+s0+$0x0], v1 =	vst.idx.ret.add.f32.msk @!p0 $0x1, v1  }
0xd0: {  	[tilespmem:s2+$0xC0] =	vst.msk $0x1, v0  }
0xd1: {  	v0 =	vld.msk [tilespmem:s4+$0xE0], $0x1;
	_ =	sdelay $0x4  }
0xd2: {  	[tilespmem:s2+$0xE0] =	vst.msk $0x1, v0;
	s2 =	sadd.s32 $0x1, s2  }
.LBB2_22:
0xd3: {  	s4 =	sadd.s32 $0x1, s4  }
0xd4: {  	p0 =	sne.s32 s4, $0x20  }
.Ltmp10:
0xd5: {  	_ = 	snop;
	(pc) =	sbr.rel @!p0 .LBB2_23-.Ltmp10, $1  }
0xd6: {  	_ =	sdelay $0x3  }
.LBB2_15:
0xd7: {  	v0 =	vld.msk [tilespmem:s4+$0xC0], $0x1;
	_ =	sdelay $0x4  }
0xd8: {  	(v2sf) =	vpush v0, $0x0;
	_ =	sdelay $0xe  }
0xd9: {  	s0 =	spop (v2sf)  }
0xda: {  	p0 =	seq.s32 s0, $0xFFFFFFFF  }
.Ltmp11:
0xdb: {  	_ = 	snop;
	(pc) =	sbr.rel @p0 .LBB2_22-.Ltmp11, $1  }
0xdc: {  	_ =	sdelay $0x3  }
0xdd: {  	p0 =	slt.s32 s2, $0x1  }
.Ltmp12:
0xde: {  	_ = 	snop;
	(pc) =	sbr.rel @p0 .LBB2_20-.Ltmp12, $1  }
0xdf: {  	_ =	sdelay $0x3  }
0xe0: {  	s5 =	simm.s32 $0xC0;
	p0 =	por $0x0, $0x0  }
0xe1: {  	v1 =	vld.msk @!p0 [tilespmem:s5+$0x0], $0x1;
	_ =	sdelay $0x4  }
0xe2: {  	(v2sf) =	vpush @!p0 v1, $0x0;
	_ =	sdelay $0xd  }
0xe3: {  	p2 =	sne.s32 s2, $0x1  }
.Ltmp13:
0xe4: {  	s6 =	spop @!p0 (v2sf);
	(pc) =	sbr.rel @!p2 .LBB2_19-.Ltmp13, $4  }
0xe5: {  	p1 =	seq.s32 @!p0 s0, s6  }
0xe6: {  	s6 =	simm.s32 $0x0;
	p1 =	por !p1, p0  }
0xe7: {  	s8 =	simm.s32 $0xFFFFFFFF;
	s6 =	simm.s32 @p1 $0xFFFFFFFF  }
0xe8: {  	s7 =	simm.s32 $0x1;
	s6 =	smov.u32 @p0 s8  }
.LBB2_18:
0xe9: {  	s8 =	smov.u32 s6;
	p0 =	sne.s32 s6, $0xFFFFFFFF  }
0xea: {  	s5 =	sadd.s32 $0x1, s5;
	s6 =	smov.u32 s7;
	s7 =	sadd.s32 $0x1, s7  }
0xeb: {  	p1 =	sne.s32 s2, s7;
	v1 =	vld.msk @!p0 [tilespmem:s5+$0x0], $0x1;
	_ =	sdelay $0x4  }
0xec: {  	(v2sf) =	vpush @!p0 v1, $0x0;
	_ =	sdelay $0xe  }
.Ltmp14:
0xed: {  	s9 =	spop @!p0 (v2sf);
	(pc) =	sbr.rel @p1 .LBB2_18-.Ltmp14, $4  }
0xee: {  	p2 =	seq.s32 @!p0 s0, s9  }
0xef: {  	p2 =	por !p2, p0  }
0xf0: {  	s6 =	simm.s32 @p2 $0xFFFFFFFF  }
0xf1: {  	s6 =	smov.u32 @p0 s8  }
.LBB2_19:
0xf2: {  	p0 =	sne.s32 s6, $0xFFFFFFFF  }
.Ltmp15:
0xf3: {  	_ = 	snop;
	(pc) =	sbr.rel @!p0 .LBB2_20-.Ltmp15, $1  }
0xf4: {  	_ =	sdelay $0x3  }
0xf5: {  	v0 =	vld.msk [tilespmem:s4+$0xE0], $0x1;
	v1 =	vmov s6  }
.Ltmp16:
0xf6: {  	_ = 	snop;
	(pc) =	sbr.rel .LBB2_22-.Ltmp16, $2  }
0xf7: {  	_ =	sdelay $0x2  }
0xf8: {  	[tilespmem:v1+s3+$0x0], v0 =	vst.idx.ret.add.f32.msk $0x1, v0  }
.LBB2_23:
0xf9: {  	p0 =	slt.s32 s2, $0x1  }
.Ltmp17:
0xfa: {  	_ = 	snop;
	(pc) =	sbr.rel @p0 .LBB2_27-.Ltmp17, $3  }
0xfb: {  	_ =	sdelay $0x1  }
0xfc: {  	s0 =	simm.s32 $0x6  }
0xfd: {  	[sflag:s0] =	ssyncpa.u1 $0x1;
	s0 =	simm.s32 $0x0  }
0xfe: {  	s3 =	simm.s32 $0xC0  }
0xff: {  	v0 =	vld.msk [tilespmem:s3+$0x0], $0x1;
	_ =	sdelay $0x4  }
0x100: {  	(v2sf) =	vpush v0, $0x0;
	_ =	sdelay $0xe  }
0x101: {  	s2 =	sadd.s32 $0xFFFFFFFF, s2;
	s4 =	spop (v2sf)  }
0x102: {  	p1 =	sne.s32 s2, $0x0;
	p0 =	sgt.u32 s4, $0x1FFF  }
.Ltmp18:
0x103: {  	s5 =	sshrl.u32 @!p0 s4, $0x3;
	(pc) =	sbr.rel @!p1 .LBB2_26-.Ltmp18, $4  }
0x104: {  	s3 =	simm.s32 $0xE0;
	s4 =	sand.u32 @!p0 $0x7, s4;
	s5 =	sadd.s32 @!p0 s1, s5  }
0x105: {  	[hbm4b:s5+s4] =	stream.linear.scatter @!p0 [tilespmem:s3], [sflag:$0x5], $0x1, $0x38;
	[tilespmem:$0x17A0] =	vst v63  }
0x106: {  	s5 =	simm.s32 $0x0  }
0x107: {  	s4 =	simm.s32 $0xC1;
	s5 =	simm.s32 @!p0 $0x4  }
.LBB2_25:
0x108: {  	v0 =	vld.msk [tilespmem:s4+$0x0], $0x1;
	s2 =	sadd.s32 $0xFFFFFFFF, s2;
	s0 =	sadd.s32 s0, s5  }
0x109: {  	p0 =	sne.s32 s2, $0x0;
	_ =	sdelay $0x3  }
0x10a: {  	(v2sf) =	vpush v0, $0x0;
	_ =	sdelay $0xe  }
.Ltmp19:
0x10b: {  	s6 =	spop (v2sf);
	(pc) =	sbr.rel @p0 .LBB2_25-.Ltmp19, $4  }
0x10c: {  	s5 =	simm.s32 $0x0;
	p1 =	sgt.u32 s6, $0x1FFF  }
0x10d: {  	s3 =	sadd.s32 $0x1, s3;
	s5 =	simm.s32 @!p1 $0x4;
	s7 =	sshrl.u32 @!p1 s6, $0x3  }
0x10e: {  	s4 =	sadd.s32 $0x1, s4;
	s6 =	sand.u32 @!p1 $0x7, s6;
	s7 =	sadd.s32 @!p1 s1, s7  }
0x10f: {  	[hbm4b:s7+s6] =	stream.linear.scatter @!p1 [tilespmem:s3], [sflag:$0x5], $0x1, $0x38;
	[tilespmem:$0x17A0] =	vst v63  }
.LBB2_26:
0x110: {  	s0 =	sadd.s32 s0, s5  }
0x111: {  	s0 =	sshrl.u32 s0, $0x2  }
.LBB2_27:
0x112: {  	s1 =	simm.s32 $0x5  }
0x113: {  	_ =	swait.ge [sflag:s1], s0  }
0x114: {  	s28 =	ssub.s32 $0x0, s0;
	[sflag:s1] =	ssyncset.done $0x0  }
0x115: {  	[sflag:s1] =	ssyncadd.s32 s28  }
0x116: {  	[sflag:s1] =	ssyncpa.u1 $0x1  }
0x117: {  	s29 =	simm.s32 $0x1;
	_ =	sfence  }
0x118: {  	s30 =	simm.s32 $0x2;
	[sflag:s29] =	ssyncpa.u1 $0x1  }
0x119: {  	[sflag:s30] =	ssyncpa.u1 $0x1  }
0x11a: {  	_ =	strace $0x90000047  }
0x11b: {  	[bflag:$0x2] =	sbarrier.arrive $0xFFFF  }
0x11c: {  	s31 =	rddreg [dreg:$0x1]  }
0x11d: {  	s0 =	sadd.s32 $0x100000, s31  }
0x11e: {  	[sflag:s0] =	ssyncadd.tile.s32 $0x1;
	_ =	shalt  }
.Lfunc_end2:
_tile_overlayer_lowered:
.L_overlay_start_2:
0x11f: {  	(tag) =	ssettag $0x2  }
0x120: {  	s0 =	rddreg [dreg:$0x0];
	s2 =	stileid.u32  }
0x121: {  	s1 =	rddreg [dreg:$0x1];
	p0 =	sne.s32 s2, $0x0  }
0x122: {  	s3 =	rddreg [dreg:$0x2];
	[bflag:$0x3] =	sbarrier.arrive $0xFFFF;
	s2 =	simm.s32 @!p0 $0x1C01  }
0x123: {  	[timem:s3], [sflag:s2] =	dma.local @!p0 [hbm:s0], s1  }
0x124: {  	s0 =	simm.s32 @!p0 $0x1  }
0x125: {  	_ =	swait.ge @!p0 [sflag:s0], s1  }
0x126: {  	s1 =	ssub.s32 @!p0 $0x0, s1;
	[sflag:s0] =	ssyncset.done @!p0 $0x0  }
0x127: {  	[sflag:s0] =	ssyncadd.s32 @!p0 s1  }
0x128: {  	[bflag:$0x3] =	sbarrier.arrive $0xFFFF  }
0x129: {  	_ =	shalt  }

</sc_bundles>
